<compile_context>
chip_gen: v7x
topology: tpu7x:2x2x1
jax: 0.10.2.dev20260603
libtpu: 0.0.44.dev20260713+nightly
codegen_flags: <defaults>
</compile_context>

<pallas_src>
import jax
import jax.numpy as jnp
from jax import lax
from jax.experimental import pallas as pl
from jax.experimental.pallas import tpu as pltpu
from jax.experimental.pallas import tpu_sc as plsc

B, N, K, C, D = 8, 207, 16, 8, 64
EPS = 1e-5
MARGIN = 0.5
UPD = 0.01

NP = 208
NB = 26
ROWS = B * NP * K
NW = 32
CHUNK = ROWS // NW
SUB = 64
NSUB = CHUNK // SUB
TW = 2 * D



def _gather_body(gidx_hbm, table_hbm, out_hbm, idx_v, rows_v, *sems):
    gsems, wbsem = sems[:NSUB], sems[NSUB]
    w = lax.axis_index("s") * 2 + lax.axis_index("c")
    base = w * CHUNK
    pltpu.sync_copy(gidx_hbm.at[pl.ds(base, CHUNK)], idx_v)
    copies = []
    for j in range(NSUB):
        copies.append(pltpu.async_copy(
            table_hbm.at[idx_v.at[pl.ds(j * SUB, SUB)]],
            rows_v.at[pl.ds(j * SUB, SUB)], gsems[j]))
    wbs = []
    for j in range(NSUB):
        copies[j].wait()
        wbs.append(pltpu.async_copy(
            rows_v.at[pl.ds(j * SUB, SUB)],
            out_hbm.at[pl.ds(base + j * SUB, SUB)], wbsem))
    for wb in wbs:
        wb.wait()


def _sc_gather(gidx, table):
    fn = pl.kernel(
        _gather_body,
        out_type=jax.ShapeDtypeStruct((ROWS, TW), jnp.float32),
        mesh=plsc.VectorSubcoreMesh(core_axis_name="c", subcore_axis_name="s"),
        scratch_types=[
            pltpu.VMEM((CHUNK,), jnp.int32),
            pltpu.VMEM((CHUNK, TW), jnp.float32),
        ] + [pltpu.SemaphoreType.DMA] * (NSUB + 1),
    )
    return fn(gidx, table)



def _main_body(g1, cent, gf, bf, gc, bc, W1, b1, w2r, b2, out, loss):
    ffg = g1[:, :, :, 0:D]
    xg = g1[:, :, :, D:TW]

    cnt = float(B * K * D)
    fm = jnp.sum(ffg, axis=(0, 2, 3), keepdims=True) * (1.0 / cnt)
    fe2 = jnp.sum(ffg * ffg, axis=(0, 2, 3), keepdims=True) * (1.0 / cnt)
    fv = fe2 - fm * fm
    af = gf[...][None] * lax.rsqrt(fv + EPS)
    tf = bf[...][None] - af * fm
    feat_bn = af * ffg + tf

    fproj = jnp.dot(feat_bn.reshape(B * NB * K, D), W1[0:D, :],
                    preferred_element_type=jnp.float32)
    F = fproj.reshape(B, NB, K, D)

    cw = float(C * D)
    cm = jnp.sum(cent[...], axis=(1, 2), keepdims=True) * (1.0 / cw)
    ce2 = jnp.sum(cent[...] * cent[...], axis=(1, 2), keepdims=True) * (1.0 / cw)
    cv = ce2 - cm * cm
    ac = gc[...] * lax.rsqrt(cv + EPS)
    tc = bc[...] - ac * cm
    cent_bn = ac * cent[...] + tc
    gproj = jnp.dot(cent_bn.reshape(NB * C, D), W1[D:2 * D, :],
                    preferred_element_type=jnp.float32)
    G = gproj.reshape(NB, C, D) + b1[...][None]

    A = jnp.maximum(F[:, :, :, None, :] + G[None, :, None, :, :], 0.0)
    sp = jnp.sum(A * w2r[...][None, None, None, :, :], axis=-1)
    e = jnp.exp(jnp.maximum(sp, -b2[0, 0]))
    z = jnp.sum(e, axis=-1, keepdims=True)
    xgz = xg * ((1.0 / K) / z)

    agg = jnp.sum(e[:, :, :, :, None] * xgz[:, :, :, None, :], axis=2)
    out[...] = agg

    i = pl.program_id(0)
    um = jnp.sum(agg, axis=0) * (1.0 / B)
    nc = (1.0 - UPD) * cent[...] + UPD * um
    adj = jnp.sum(nc, axis=1, keepdims=True) * (1.0 / C)
    x1 = nc - adj
    gram = jnp.sum(x1[:, :, None, :] * x1[:, None, :, :], axis=-1)
    n1 = jnp.sum(x1 * x1, axis=-1)
    res = -2.0 * gram + n1[:, :, None] + n1[:, None, :]
    dist = jnp.sqrt(jnp.maximum(res, 1e-30))
    ii = lax.broadcasted_iota(jnp.int32, (C, C), 0)
    jj = lax.broadcasted_iota(jnp.int32, (C, C), 1)
    tgt = jnp.where(ii == jj, 0.0, MARGIN)
    cdl = jnp.maximum(tgt[None] - dist, 0.0) ** 2
    ni = lax.broadcasted_iota(jnp.int32, (NB, 1, 1), 0) + i * NB
    valid = jnp.where(ni < N, 1.0, 0.0)
    partial = jnp.sum(cdl * valid) * (1.0 / N)

    @pl.when(i == 0)
    def _():
        loss[0, 0] = partial

    @pl.when(i > 0)
    def _():
        loss[0, 0] = loss[0, 0] + partial


def _main_call(g1, centp, gf3, bf3, gc3, bc3, W1, b1r, w2r, b2r):
    return pl.pallas_call(
        _main_body,
        grid=(NP // NB,),
        in_specs=[
            pl.BlockSpec((B, NB, K, TW), lambda i: (0, i, 0, 0)),
            pl.BlockSpec((NB, C, D), lambda i: (i, 0, 0)),
            pl.BlockSpec((NB, 1, 1), lambda i: (i, 0, 0)),
            pl.BlockSpec((NB, 1, 1), lambda i: (i, 0, 0)),
            pl.BlockSpec((NB, 1, 1), lambda i: (i, 0, 0)),
            pl.BlockSpec((NB, 1, 1), lambda i: (i, 0, 0)),
            pl.BlockSpec((2 * D, D), lambda i: (0, 0)),
            pl.BlockSpec((1, D), lambda i: (0, 0)),
            pl.BlockSpec((1, D), lambda i: (0, 0)),
            pl.BlockSpec((1, 1), lambda i: (0, 0)),
        ],
        out_specs=[
            pl.BlockSpec((B, NB, C, D), lambda i: (0, i, 0, 0)),
            pl.BlockSpec(memory_space=pltpu.SMEM),
        ],
        out_shape=[
            jax.ShapeDtypeStruct((B, N, C, D), jnp.float32),
            jax.ShapeDtypeStruct((1, 1), jnp.float32),
        ],
    )(g1, centp, gf3, bf3, gc3, bc3, W1, b1r, w2r, b2r)



def kernel(fushed_features, input_data, adj_mx_topk_index, centroids,
           W1, b1, W2, b2, gamma_c, beta_c, gamma_f, beta_f):
    ff = fushed_features
    x = input_data[:, 0]

    table = jnp.concatenate([ff, x], axis=-1).reshape(B * N, TW)

    idxp = jnp.pad(adj_mx_topk_index, ((0, 0), (0, NP - N), (0, 0)))
    gidx = (idxp + (jnp.arange(B, dtype=jnp.int32) * N)[:, None, None])
    gidx = gidx.reshape(ROWS)

    g1 = _sc_gather(gidx, table).reshape(B, NP, K, TW)

    centp = jnp.pad(centroids, ((0, NP - N), (0, 0), (0, 0)))
    gf3 = jnp.pad(gamma_f, (0, NP - N), constant_values=1.0).reshape(NP, 1, 1)
    bf3 = jnp.pad(beta_f, (0, NP - N)).reshape(NP, 1, 1)
    gc3 = jnp.pad(gamma_c, (0, NP - N), constant_values=1.0).reshape(NP, 1, 1)
    bc3 = jnp.pad(beta_c, (0, NP - N)).reshape(NP, 1, 1)
    b1r = b1.reshape(1, D)
    b2r = b2.reshape(1, 1)

    updated_input, lossarr = _main_call(g1, centp, gf3, bf3, gc3, bc3, W1,
                                        b1r, W2.reshape(1, D), b2r)
    return (updated_input, lossarr[0, 0])

# --- scband reference (transcript-rebuilt; emitter-appended) ---
"""Pipeline reference for scband-clustering-dynamic-learning-45286135169473 (READ-ONLY COPY).

The authoritative reference and input builder live on the scoring server;
editing this copy changes nothing except your own understanding.
"""

import jax, jax.numpy as jnp
import numpy as np

B, N, K, C, D = 8, 207, 16, 8, 64
EPS = 1e-5
MARGIN = 0.5
UPD = 0.01


def _batchnorm3d(x, gamma, beta):
    # torch BatchNorm3d in training mode: per-channel (axis=1) stats over (0,2,3,4), biased variance
    mean = x.mean(axis=(0, 2, 3, 4), keepdims=True)
    var = x.var(axis=(0, 2, 3, 4), keepdims=True)
    g = gamma.reshape(1, -1, 1, 1, 1)
    b = beta.reshape(1, -1, 1, 1, 1)
    return g * (x - mean) / jnp.sqrt(var + EPS) + b


def setup_inputs(seed: int = 0) -> dict:
    key = jax.random.key(seed)
    ks = jax.random.split(key, 8)
    fushed_features = jax.random.normal(ks[0], (B, N, D), dtype=jnp.float32)
    input_data = jax.random.normal(ks[1], (B, 1, N, D), dtype=jnp.float32)
    adj_mx_topk_index = jax.random.randint(ks[2], (B, N, K), 0, N, dtype=jnp.int32)
    centroids = jax.random.normal(ks[3], (N, C, D), dtype=jnp.float32)
    W1 = jax.random.normal(ks[4], (2 * D, D), dtype=jnp.float32) * (1.0 / np.sqrt(2 * D))
    b1 = jnp.zeros((D,), dtype=jnp.float32)
    W2 = jax.random.normal(ks[5], (D, 1), dtype=jnp.float32) * (1.0 / np.sqrt(D))
    b2 = jnp.zeros((1,), dtype=jnp.float32)
    gamma_c = jnp.ones((N,), dtype=jnp.float32)
    beta_c = jnp.zeros((N,), dtype=jnp.float32)
    gamma_f = jnp.ones((N,), dtype=jnp.float32)
    beta_f = jnp.zeros((N,), dtype=jnp.float32)
    return {
        "fushed_features": fushed_features,
        "input_data": input_data,
        "adj_mx_topk_index": adj_mx_topk_index,
        "centroids": centroids,
        "W1": W1, "b1": b1, "W2": W2, "b2": b2,
        "gamma_c": gamma_c, "beta_c": beta_c,
        "gamma_f": gamma_f, "beta_f": beta_f,
    }


def reference(fushed_features, input_data, adj_mx_topk_index, centroids,
              W1, b1, W2, b2, gamma_c, beta_c, gamma_f, beta_f):
    # expanded gather index: (B, N, K, D)  (seq_length_x == fused_dim == D)
    idx = jnp.broadcast_to(adj_mx_topk_index[..., None], (B, N, K, D))
    # input_data: (B,1,N,S) -> expand -> gather top-k neighbors along axis 2
    input_expand = jnp.broadcast_to(input_data, (B, N, N, D))
    input_expand_topk = jnp.take_along_axis(input_expand, idx, axis=2)  # (B,N,K,D)
    ff_expand = jnp.broadcast_to(fushed_features[:, None, :, :], (B, N, N, D))
    ff_topk = jnp.take_along_axis(ff_expand, idx, axis=2)  # (B,N,K,D)
    # centroids: (N,C,D) -> (B,N,K,C,D)
    cent_exp = jnp.broadcast_to(centroids[None, :, None, :, :], (B, N, K, C, D))
    cent_bn = _batchnorm3d(cent_exp, gamma_c, beta_c)
    feat_exp = jnp.broadcast_to(ff_topk[:, :, :, None, :], (B, N, K, C, D))
    feat_bn = _batchnorm3d(feat_exp, gamma_f, beta_f)
    concated = jnp.concatenate([feat_bn, cent_bn], axis=-1)  # (B,N,K,C,2D)
    h = jax.nn.relu(jnp.matmul(concated, W1) + b1)
    s = jax.nn.relu(jnp.matmul(h, W2) + b2)  # (B,N,K,C,1)
    simi_mat = jax.nn.softmax(s[..., 0], axis=-1)  # (B,N,K,C)
    # einsum('mlikj,mlijc->mlikc') with j=1, then mean over neighbors i
    updated_input = (simi_mat[..., None] * input_expand_topk[:, :, :, None, :]).mean(axis=2)  # (B,N,C,D)
    new_centroids = (1.0 - UPD) * centroids + UPD * updated_input.mean(axis=0)
    # fast_cdist(new_centroids, new_centroids)
    adjustment = new_centroids.mean(axis=-2, keepdims=True)
    x1 = new_centroids - adjustment
    x2 = new_centroids - adjustment
    x1_norm = (x1 ** 2).sum(axis=-1, keepdims=True)
    x2_norm = (x2 ** 2).sum(axis=-1, keepdims=True)
    x1_ = jnp.concatenate([-2.0 * x1, x1_norm, jnp.ones_like(x1_norm)], axis=-1)
    x2_ = jnp.concatenate([x2, jnp.ones_like(x2_norm), x2_norm], axis=-1)
    res = jnp.matmul(x1_, jnp.swapaxes(x2_, -2, -1))  # (N,C,C)
    dist = jnp.sqrt(jnp.maximum(res, 1e-30))
    eye = jnp.eye(C, dtype=jnp.float32)
    target = (jnp.ones_like(eye) - eye) * MARGIN
    cdl = jnp.maximum(target - dist, 0.0) ** 2
    cluster_difference_loss = cdl.sum(-1).sum(-1).mean()
    return (updated_input, cluster_difference_loss)

if __name__ == "__main__":
    import jax
    _d = setup_inputs()
    print(jax.jit(kernel)(*tuple(_d.values())))

</pallas_src>

<mosaic_0001>
#map = affine_map<(d0, d1) -> (0)>
#map1 = affine_map<(d0, d1) -> (0, 0)>
module attributes {stable_mosaic.version = 14 : i64} {
  func.func @_gather_body(%arg0: i32, %arg1: i32, %arg2: memref<26624xi32, #tpu.memory_space<hbm>>, %arg3: memref<1656x128xf32, #tpu.memory_space<hbm>>, %arg4: memref<26624x128xf32, #tpu.memory_space<hbm>>, %arg5: memref<832xi32, #tpu.memory_space<vmem>>, %arg6: memref<832x128xf32, #tpu.memory_space<vmem>>, %arg7: memref<!tpu.dma_semaphore, #tpu.memory_space<semaphore_mem>>, %arg8: memref<!tpu.dma_semaphore, #tpu.memory_space<semaphore_mem>>, %arg9: memref<!tpu.dma_semaphore, #tpu.memory_space<semaphore_mem>>, %arg10: memref<!tpu.dma_semaphore, #tpu.memory_space<semaphore_mem>>, %arg11: memref<!tpu.dma_semaphore, #tpu.memory_space<semaphore_mem>>, %arg12: memref<!tpu.dma_semaphore, #tpu.memory_space<semaphore_mem>>, %arg13: memref<!tpu.dma_semaphore, #tpu.memory_space<semaphore_mem>>, %arg14: memref<!tpu.dma_semaphore, #tpu.memory_space<semaphore_mem>>, %arg15: memref<!tpu.dma_semaphore, #tpu.memory_space<semaphore_mem>>, %arg16: memref<!tpu.dma_semaphore, #tpu.memory_space<semaphore_mem>>, %arg17: memref<!tpu.dma_semaphore, #tpu.memory_space<semaphore_mem>>, %arg18: memref<!tpu.dma_semaphore, #tpu.memory_space<semaphore_mem>>, %arg19: memref<!tpu.dma_semaphore, #tpu.memory_space<semaphore_mem>>, %arg20: memref<!tpu.dma_semaphore, #tpu.memory_space<semaphore_mem>>) attributes {dimension_semantics = [#tpu.dimension_semantics<core_parallel>, #tpu.dimension_semantics<subcore_parallel>], iteration_bounds = array<i64: 2, 16>, scalar_prefetch = 0 : i64, scratch_operands = 16 : i64, tpu.core_type = #tpu.core_type<sc_vector_subcore>, window_params = [{transform_indices = #map}, {transform_indices = #map1}, {transform_indices = #map1}]} {
    %mul3A = arith.constant 2 : i32
    %mul3A_0 = arith.muli %arg1, %mul3A : i32
    %add3A = arith.addi %mul3A_0, %arg0 : i32
    %mul3A_1 = arith.constant 832 : i32
    %mul3A_2 = arith.muli %add3A, %mul3A_1 : i32
    "tpu.region"() ({
      %run_scoped3A = tpu.sem_alloc : memref<!tpu.dma_semaphore, #tpu.memory_space<semaphore_mem>>
      %dma_start3A_495 = tpu.memref_slice %arg2[%mul3A_2] : memref<26624xi32, #tpu.memory_space<hbm>> -> memref<832xi32, #tpu.memory_space<hbm>>
      %dma_start3A_496 = tpu.memref_slice %arg2[%mul3A_2] : memref<26624xi32, #tpu.memory_space<hbm>> -> memref<832xi32, #tpu.memory_space<hbm>>
      tpu.enqueue_dma source(%dma_start3A_496 : memref<832xi32, #tpu.memory_space<hbm>>) target(%arg5 : memref<832xi32, #tpu.memory_space<vmem>>) target_semaphore(%run_scoped3A : memref<!tpu.dma_semaphore, #tpu.memory_space<semaphore_mem>>)
      %dma_wait3A_497 = tpu.memref_slice %arg2[%mul3A_2] : memref<26624xi32, #tpu.memory_space<hbm>> -> memref<832xi32, #tpu.memory_space<hbm>>
      %dma_wait3A_498 = tpu.memref_slice %arg2[%mul3A_2] : memref<26624xi32, #tpu.memory_space<hbm>> -> memref<832xi32, #tpu.memory_space<hbm>>
      tpu.wait_dma2 semaphore(%run_scoped3A : memref<!tpu.dma_semaphore, #tpu.memory_space<semaphore_mem>>) src(%dma_wait3A_498 : memref<832xi32, #tpu.memory_space<hbm>>) dst(%arg5 : memref<832xi32, #tpu.memory_space<vmem>>)
      tpu.yield
    }) : () -> ()
    %dma_start3A = arith.constant 0 : i32
    %dma_start3A_3 = arith.constant 0 : i32
    %dma_start3A_4 = tpu.memref_slice %arg6[%dma_start3A, %dma_start3A_3] : memref<832x128xf32, #tpu.memory_space<vmem>> -> memref<64x128xf32, #tpu.memory_space<vmem>>
    %dma_start3A_5 = arith.constant 0 : i32
    %dma_start3A_6 = tpu.memref_slice %arg5[%dma_start3A_5] : memref<832xi32, #tpu.memory_space<vmem>> -> memref<64xi32, #tpu.memory_space<vmem>>
    %dma_start3A_7 = arith.constant 0 : i32
    %dma_start3A_8 = arith.constant 0 : i32
    %dma_start3A_9 = tpu.memref_slice %arg3[%dma_start3A_7, %dma_start3A_8] : memref<1656x128xf32, #tpu.memory_space<hbm>> -> memref<1656x128xf32, #tpu.memory_space<hbm>>
    tpu.enqueue_indirect_dma source(%dma_start3A_9 : memref<1656x128xf32, #tpu.memory_space<hbm>>) target(%dma_start3A_4 : memref<64x128xf32, #tpu.memory_space<vmem>>) offsets(%dma_start3A_6 : memref<64xi32, #tpu.memory_space<vmem>>) semaphore(%arg7 : memref<!tpu.dma_semaphore, #tpu.memory_space<semaphore_mem>>)
    %dma_start3A_10 = arith.constant 64 : i32
    %dma_start3A_11 = arith.constant 0 : i32
    %dma_start3A_12 = tpu.memref_slice %arg6[%dma_start3A_10, %dma_start3A_11] : memref<832x128xf32, #tpu.memory_space<vmem>> -> memref<64x128xf32, #tpu.memory_space<vmem>>
    %dma_start3A_13 = arith.constant 64 : i32
    %dma_start3A_14 = tpu.memref_slice %arg5[%dma_start3A_13] : memref<832xi32, #tpu.memory_space<vmem>> -> memref<64xi32, #tpu.memory_space<vmem>>
    %dma_start3A_15 = arith.constant 0 : i32
    %dma_start3A_16 = arith.constant 0 : i32
    %dma_start3A_17 = tpu.memref_slice %arg3[%dma_start3A_15, %dma_start3A_16] : memref<1656x128xf32, #tpu.memory_space<hbm>> -> memref<1656x128xf32, #tpu.memory_space<hbm>>
    tpu.enqueue_indirect_dma source(%dma_start3A_17 : memref<1656x128xf32, #tpu.memory_space<hbm>>) target(%dma_start3A_12 : memref<64x128xf32, #tpu.memory_space<vmem>>) offsets(%dma_start3A_14 : memref<64xi32, #tpu.memory_space<vmem>>) semaphore(%arg8 : memref<!tpu.dma_semaphore, #tpu.memory_space<semaphore_mem>>)
    %dma_start3A_18 = arith.constant 128 : i32
    %dma_start3A_19 = arith.constant 0 : i32
    %dma_start3A_20 = tpu.memref_slice %arg6[%dma_start3A_18, %dma_start3A_19] : memref<832x128xf32, #tpu.memory_space<vmem>> -> memref<64x128xf32, #tpu.memory_space<vmem>>
    %dma_start3A_21 = arith.constant 128 : i32
    %dma_start3A_22 = tpu.memref_slice %arg5[%dma_start3A_21] : memref<832xi32, #tpu.memory_space<vmem>> -> memref<64xi32, #tpu.memory_space<vmem>>
    %dma_start3A_23 = arith.constant 0 : i32
    %dma_start3A_24 = arith.constant 0 : i32
    %dma_start3A_25 = tpu.memref_slice %arg3[%dma_start3A_23, %dma_start3A_24] : memref<1656x128xf32, #tpu.memory_space<hbm>> -> memref<1656x128xf32, #tpu.memory_space<hbm>>
    tpu.enqueue_indirect_dma source(%dma_start3A_25 : memref<1656x128xf32, #tpu.memory_space<hbm>>) target(%dma_start3A_20 : memref<64x128xf32, #tpu.memory_space<vmem>>) offsets(%dma_start3A_22 : memref<64xi32, #tpu.memory_space<vmem>>) semaphore(%arg9 : memref<!tpu.dma_semaphore, #tpu.memory_space<semaphore_mem>>)
    %dma_start3A_26 = arith.constant 192 : i32
    %dma_start3A_27 = arith.constant 0 : i32
    %dma_start3A_28 = tpu.memref_slice %arg6[%dma_start3A_26, %dma_start3A_27] : memref<832x128xf32, #tpu.memory_space<vmem>> -> memref<64x128xf32, #tpu.memory_space<vmem>>
    %dma_start3A_29 = arith.constant 192 : i32
    %dma_start3A_30 = tpu.memref_slice %arg5[%dma_start3A_29] : memref<832xi32, #tpu.memory_space<vmem>> -> memref<64xi32, #tpu.memory_space<vmem>>
    %dma_start3A_31 = arith.constant 0 : i32
    %dma_start3A_32 = arith.constant 0 : i32
    %dma_start3A_33 = tpu.memref_slice %arg3[%dma_start3A_31, %dma_start3A_32] : memref<1656x128xf32, #tpu.memory_space<hbm>> -> memref<1656x128xf32, #tpu.memory_space<hbm>>
    tpu.enqueue_indirect_dma source(%dma_start3A_33 : memref<1656x128xf32, #tpu.memory_space<hbm>>) target(%dma_start3A_28 : memref<64x128xf32, #tpu.memory_space<vmem>>) offsets(%dma_start3A_30 : memref<64xi32, #tpu.memory_space<vmem>>) semaphore(%arg10 : memref<!tpu.dma_semaphore, #tpu.memory_space<semaphore_mem>>)
    %dma_start3A_34 = arith.constant 256 : i32
    %dma_start3A_35 = arith.constant 0 : i32
    %dma_start3A_36 = tpu.memref_slice %arg6[%dma_start3A_34, %dma_start3A_35] : memref<832x128xf32, #tpu.memory_space<vmem>> -> memref<64x128xf32, #tpu.memory_space<vmem>>
    %dma_start3A_37 = arith.constant 256 : i32
    %dma_start3A_38 = tpu.memref_slice %arg5[%dma_start3A_37] : memref<832xi32, #tpu.memory_space<vmem>> -> memref<64xi32, #tpu.memory_space<vmem>>
    %dma_start3A_39 = arith.constant 0 : i32
    %dma_start3A_40 = arith.constant 0 : i32
    %dma_start3A_41 = tpu.memref_slice %arg3[%dma_start3A_39, %dma_start3A_40] : memref<1656x128xf32, #tpu.memory_space<hbm>> -> memref<1656x128xf32, #tpu.memory_space<hbm>>
    tpu.enqueue_indirect_dma source(%dma_start3A_41 : memref<1656x128xf32, #tpu.memory_space<hbm>>) target(%dma_start3A_36 : memref<64x128xf32, #tpu.memory_space<vmem>>) offsets(%dma_start3A_38 : memref<64xi32, #tpu.memory_space<vmem>>) semaphore(%arg11 : memref<!tpu.dma_semaphore, #tpu.memory_space<semaphore_mem>>)
    %dma_start3A_42 = arith.constant 320 : i32
    %dma_start3A_43 = arith.constant 0 : i32
    %dma_start3A_44 = tpu.memref_slice %arg6[%dma_start3A_42, %dma_start3A_43] : memref<832x128xf32, #tpu.memory_space<vmem>> -> memref<64x128xf32, #tpu.memory_space<vmem>>
    %dma_start3A_45 = arith.constant 320 : i32
    %dma_start3A_46 = tpu.memref_slice %arg5[%dma_start3A_45] : memref<832xi32, #tpu.memory_space<vmem>> -> memref<64xi32, #tpu.memory_space<vmem>>
    %dma_start3A_47 = arith.constant 0 : i32
    %dma_start3A_48 = arith.constant 0 : i32
    %dma_start3A_49 = tpu.memref_slice %arg3[%dma_start3A_47, %dma_start3A_48] : memref<1656x128xf32, #tpu.memory_space<hbm>> -> memref<1656x128xf32, #tpu.memory_space<hbm>>
    tpu.enqueue_indirect_dma source(%dma_start3A_49 : memref<1656x128xf32, #tpu.memory_space<hbm>>) target(%dma_start3A_44 : memref<64x128xf32, #tpu.memory_space<vmem>>) offsets(%dma_start3A_46 : memref<64xi32, #tpu.memory_space<vmem>>) semaphore(%arg12 : memref<!tpu.dma_semaphore, #tpu.memory_space<semaphore_mem>>)
    %dma_start3A_50 = arith.constant 384 : i32
    %dma_start3A_51 = arith.constant 0 : i32
    %dma_start3A_52 = tpu.memref_slice %arg6[%dma_start3A_50, %dma_start3A_51] : memref<832x128xf32, #tpu.memory_space<vmem>> -> memref<64x128xf32, #tpu.memory_space<vmem>>
    %dma_start3A_53 = arith.constant 384 : i32
    %dma_start3A_54 = tpu.memref_slice %arg5[%dma_start3A_53] : memref<832xi32, #tpu.memory_space<vmem>> -> memref<64xi32, #tpu.memory_space<vmem>>
    %dma_start3A_55 = arith.constant 0 : i32
    %dma_start3A_56 = arith.constant 0 : i32
    %dma_start3A_57 = tpu.memref_slice %arg3[%dma_start3A_55, %dma_start3A_56] : memref<1656x128xf32, #tpu.memory_space<hbm>> -> memref<1656x128xf32, #tpu.memory_space<hbm>>
    tpu.enqueue_indirect_dma source(%dma_start3A_57 : memref<1656x128xf32, #tpu.memory_space<hbm>>) target(%dma_start3A_52 : memref<64x128xf32, #tpu.memory_space<vmem>>) offsets(%dma_start3A_54 : memref<64xi32, #tpu.memory_space<vmem>>) semaphore(%arg13 : memref<!tpu.dma_semaphore, #tpu.memory_space<semaphore_mem>>)
    %dma_start3A_58 = arith.constant 448 : i32
    %dma_start3A_59 = arith.constant 0 : i32
    %dma_start3A_60 = tpu.memref_slice %arg6[%dma_start3A_58, %dma_start3A_59] : memref<832x128xf32, #tpu.memory_space<vmem>> -> memref<64x128xf32, #tpu.memory_space<vmem>>
    %dma_start3A_61 = arith.constant 448 : i32
    %dma_start3A_62 = tpu.memref_slice %arg5[%dma_start3A_61] : memref<832xi32, #tpu.memory_space<vmem>> -> memref<64xi32, #tpu.memory_space<vmem>>
    %dma_start3A_63 = arith.constant 0 : i32
    %dma_start3A_64 = arith.constant 0 : i32
    %dma_start3A_65 = tpu.memref_slice %arg3[%dma_start3A_63, %dma_start3A_64] : memref<1656x128xf32, #tpu.memory_space<hbm>> -> memref<1656x128xf32, #tpu.memory_space<hbm>>
    tpu.enqueue_indirect_dma source(%dma_start3A_65 : memref<1656x128xf32, #tpu.memory_space<hbm>>) target(%dma_start3A_60 : memref<64x128xf32, #tpu.memory_space<vmem>>) offsets(%dma_start3A_62 : memref<64xi32, #tpu.memory_space<vmem>>) semaphore(%arg14 : memref<!tpu.dma_semaphore, #tpu.memory_space<semaphore_mem>>)
    %dma_start3A_66 = arith.constant 512 : i32
    %dma_start3A_67 = arith.constant 0 : i32
    %dma_start3A_68 = tpu.memref_slice %arg6[%dma_start3A_66, %dma_start3A_67] : memref<832x128xf32, #tpu.memory_space<vmem>> -> memref<64x128xf32, #tpu.memory_space<vmem>>
    %dma_start3A_69 = arith.constant 512 : i32
    %dma_start3A_70 = tpu.memref_slice %arg5[%dma_start3A_69] : memref<832xi32, #tpu.memory_space<vmem>> -> memref<64xi32, #tpu.memory_space<vmem>>
    %dma_start3A_71 = arith.constant 0 : i32
    %dma_start3A_72 = arith.constant 0 : i32
    %dma_start3A_73 = tpu.memref_slice %arg3[%dma_start3A_71, %dma_start3A_72] : memref<1656x128xf32, #tpu.memory_space<hbm>> -> memref<1656x128xf32, #tpu.memory_space<hbm>>
    tpu.enqueue_indirect_dma source(%dma_start3A_73 : memref<1656x128xf32, #tpu.memory_space<hbm>>) target(%dma_start3A_68 : memref<64x128xf32, #tpu.memory_space<vmem>>) offsets(%dma_start3A_70 : memref<64xi32, #tpu.memory_space<vmem>>) semaphore(%arg15 : memref<!tpu.dma_semaphore, #tpu.memory_space<semaphore_mem>>)
    %dma_start3A_74 = arith.constant 576 : i32
    %dma_start3A_75 = arith.constant 0 : i32
    %dma_start3A_76 = tpu.memref_slice %arg6[%dma_start3A_74, %dma_start3A_75] : memref<832x128xf32, #tpu.memory_space<vmem>> -> memref<64x128xf32, #tpu.memory_space<vmem>>
    %dma_start3A_77 = arith.constant 576 : i32
    %dma_start3A_78 = tpu.memref_slice %arg5[%dma_start3A_77] : memref<832xi32, #tpu.memory_space<vmem>> -> memref<64xi32, #tpu.memory_space<vmem>>
    %dma_start3A_79 = arith.constant 0 : i32
    %dma_start3A_80 = arith.constant 0 : i32
    %dma_start3A_81 = tpu.memref_slice %arg3[%dma_start3A_79, %dma_start3A_80] : memref<1656x128xf32, #tpu.memory_space<hbm>> -> memref<1656x128xf32, #tpu.memory_space<hbm>>
    tpu.enqueue_indirect_dma source(%dma_start3A_81 : memref<1656x128xf32, #tpu.memory_space<hbm>>) target(%dma_start3A_76 : memref<64x128xf32, #tpu.memory_space<vmem>>) offsets(%dma_start3A_78 : memref<64xi32, #tpu.memory_space<vmem>>) semaphore(%arg16 : memref<!tpu.dma_semaphore, #tpu.memory_space<semaphore_mem>>)
    %dma_start3A_82 = arith.constant 640 : i32
    %dma_start3A_83 = arith.constant 0 : i32
    %dma_start3A_84 = tpu.memref_slice %arg6[%dma_start3A_82, %dma_start3A_83] : memref<832x128xf32, #tpu.memory_space<vmem>> -> memref<64x128xf32, #tpu.memory_space<vmem>>
    %dma_start3A_85 = arith.constant 640 : i32
    %dma_start3A_86 = tpu.memref_slice %arg5[%dma_start3A_85] : memref<832xi32, #tpu.memory_space<vmem>> -> memref<64xi32, #tpu.memory_space<vmem>>
    %dma_start3A_87 = arith.constant 0 : i32
    %dma_start3A_88 = arith.constant 0 : i32
    %dma_start3A_89 = tpu.memref_slice %arg3[%dma_start3A_87, %dma_start3A_88] : memref<1656x128xf32, #tpu.memory_space<hbm>> -> memref<1656x128xf32, #tpu.memory_space<hbm>>
    tpu.enqueue_indirect_dma source(%dma_start3A_89 : memref<1656x128xf32, #tpu.memory_space<hbm>>) target(%dma_start3A_84 : memref<64x128xf32, #tpu.memory_space<vmem>>) offsets(%dma_start3A_86 : memref<64xi32, #tpu.memory_space<vmem>>) semaphore(%arg17 : memref<!tpu.dma_semaphore, #tpu.memory_space<semaphore_mem>>)
    %dma_start3A_90 = arith.constant 704 : i32
    %dma_start3A_91 = arith.constant 0 : i32
    %dma_start3A_92 = tpu.memref_slice %arg6[%dma_start3A_90, %dma_start3A_91] : memref<832x128xf32, #tpu.memory_space<vmem>> -> memref<64x128xf32, #tpu.memory_space<vmem>>
    %dma_start3A_93 = arith.constant 704 : i32
    %dma_start3A_94 = tpu.memref_slice %arg5[%dma_start3A_93] : memref<832xi32, #tpu.memory_space<vmem>> -> memref<64xi32, #tpu.memory_space<vmem>>
    %dma_start3A_95 = arith.constant 0 : i32
    %dma_start3A_96 = arith.constant 0 : i32
    %dma_start3A_97 = tpu.memref_slice %arg3[%dma_start3A_95, %dma_start3A_96] : memref<1656x128xf32, #tpu.memory_space<hbm>> -> memref<1656x128xf32, #tpu.memory_space<hbm>>
    tpu.enqueue_indirect_dma source(%dma_start3A_97 : memref<1656x128xf32, #tpu.memory_space<hbm>>) target(%dma_start3A_92 : memref<64x128xf32, #tpu.memory_space<vmem>>) offsets(%dma_start3A_94 : memref<64xi32, #tpu.memory_space<vmem>>) semaphore(%arg18 : memref<!tpu.dma_semaphore, #tpu.memory_space<semaphore_mem>>)
    %dma_start3A_98 = arith.constant 768 : i32
    %dma_start3A_99 = arith.constant 0 : i32
    %dma_start3A_100 = tpu.memref_slice %arg6[%dma_start3A_98, %dma_start3A_99] : memref<832x128xf32, #tpu.memory_space<vmem>> -> memref<64x128xf32, #tpu.memory_space<vmem>>
    %dma_start3A_101 = arith.constant 768 : i32
    %dma_start3A_102 = tpu.memref_slice %arg5[%dma_start3A_101] : memref<832xi32, #tpu.memory_space<vmem>> -> memref<64xi32, #tpu.memory_space<vmem>>
    %dma_start3A_103 = arith.constant 0 : i32
    %dma_start3A_104 = arith.constant 0 : i32
    %dma_start3A_105 = tpu.memref_slice %arg3[%dma_start3A_103, %dma_start3A_104] : memref<1656x128xf32, #tpu.memory_space<hbm>> -> memref<1656x128xf32, #tpu.memory_space<hbm>>
    tpu.enqueue_indirect_dma source(%dma_start3A_105 : memref<1656x128xf32, #tpu.memory_space<hbm>>) target(%dma_start3A_100 : memref<64x128xf32, #tpu.memory_space<vmem>>) offsets(%dma_start3A_102 : memref<64xi32, #tpu.memory_space<vmem>>) semaphore(%arg19 : memref<!tpu.dma_semaphore, #tpu.memory_space<semaphore_mem>>)
    %dma_wait3A = arith.constant 0 : i32
    %dma_wait3A_106 = arith.constant 0 : i32
    %dma_wait3A_107 = tpu.memref_slice %arg6[%dma_wait3A, %dma_wait3A_106] : memref<832x128xf32, #tpu.memory_space<vmem>> -> memref<64x128xf32, #tpu.memory_space<vmem>>
    %dma_wait3A_108 = arith.constant 0 : i32
    %dma_wait3A_109 = tpu.memref_slice %arg5[%dma_wait3A_108] : memref<832xi32, #tpu.memory_space<vmem>> -> memref<64xi32, #tpu.memory_space<vmem>>
    %dma_wait3A_110 = arith.constant 0 : i32
    %dma_wait3A_111 = arith.constant 0 : i32
    %dma_wait3A_112 = tpu.memref_slice %arg3[%dma_wait3A_110, %dma_wait3A_111] : memref<1656x128xf32, #tpu.memory_space<hbm>> -> memref<1656x128xf32, #tpu.memory_space<hbm>>
    tpu.wait_indirect_dma semaphore(%arg7 : memref<!tpu.dma_semaphore, #tpu.memory_space<semaphore_mem>>) src(%dma_wait3A_112 : memref<1656x128xf32, #tpu.memory_space<hbm>>) dst(%dma_wait3A_107 : memref<64x128xf32, #tpu.memory_space<vmem>>)
    %add3A_113 = arith.constant 0 : i32
    %add3A_114 = arith.addi %mul3A_2, %add3A_113 : i32
    %dma_start3A_115 = arith.constant 0 : i32
    %dma_start3A_116 = arith.constant 0 : i32
    %dma_start3A_117 = tpu.memref_slice %arg6[%dma_start3A_115, %dma_start3A_116] : memref<832x128xf32, #tpu.memory_space<vmem>> -> memref<64x128xf32, #tpu.memory_space<vmem>>
    %dma_start3A_118 = arith.constant 0 : i32
    %dma_start3A_119 = tpu.memref_slice %arg4[%add3A_114, %dma_start3A_118] : memref<26624x128xf32, #tpu.memory_space<hbm>> -> memref<64x128xf32, #tpu.memory_space<hbm>>
    %dma_start3A_120 = arith.constant 0 : i32
    %dma_start3A_121 = tpu.memref_slice %arg4[%add3A_114, %dma_start3A_120] : memref<26624x128xf32, #tpu.memory_space<hbm>> -> memref<64x128xf32, #tpu.memory_space<hbm>>
    %dma_start3A_122 = arith.constant 0 : i32
    %dma_start3A_123 = arith.constant 0 : i32
    %dma_start3A_124 = tpu.memref_slice %arg6[%dma_start3A_122, %dma_start3A_123] : memref<832x128xf32, #tpu.memory_space<vmem>> -> memref<64x128xf32, #tpu.memory_space<vmem>>
    tpu.enqueue_dma source(%dma_start3A_124 : memref<64x128xf32, #tpu.memory_space<vmem>>) target(%dma_start3A_121 : memref<64x128xf32, #tpu.memory_space<hbm>>) target_semaphore(%arg20 : memref<!tpu.dma_semaphore, #tpu.memory_space<semaphore_mem>>)
    %dma_wait3A_125 = arith.constant 64 : i32
    %dma_wait3A_126 = arith.constant 0 : i32
    %dma_wait3A_127 = tpu.memref_slice %arg6[%dma_wait3A_125, %dma_wait3A_126] : memref<832x128xf32, #tpu.memory_space<vmem>> -> memref<64x128xf32, #tpu.memory_space<vmem>>
    %dma_wait3A_128 = arith.constant 64 : i32
    %dma_wait3A_129 = tpu.memref_slice %arg5[%dma_wait3A_128] : memref<832xi32, #tpu.memory_space<vmem>> -> memref<64xi32, #tpu.memory_space<vmem>>
    %dma_wait3A_130 = arith.constant 0 : i32
    %dma_wait3A_131 = arith.constant 0 : i32
    %dma_wait3A_132 = tpu.memref_slice %arg3[%dma_wait3A_130, %dma_wait3A_131] : memref<1656x128xf32, #tpu.memory_space<hbm>> -> memref<1656x128xf32, #tpu.memory_space<hbm>>
    tpu.wait_indirect_dma semaphore(%arg8 : memref<!tpu.dma_semaphore, #tpu.memory_space<semaphore_mem>>) src(%dma_wait3A_132 : memref<1656x128xf32, #tpu.memory_space<hbm>>) dst(%dma_wait3A_127 : memref<64x128xf32, #tpu.memory_space<vmem>>)
    %add3A_133 = arith.constant 64 : i32
    %add3A_134 = arith.addi %mul3A_2, %add3A_133 : i32
    %dma_start3A_135 = arith.constant 64 : i32
    %dma_start3A_136 = arith.constant 0 : i32
    %dma_start3A_137 = tpu.memref_slice %arg6[%dma_start3A_135, %dma_start3A_136] : memref<832x128xf32, #tpu.memory_space<vmem>> -> memref<64x128xf32, #tpu.memory_space<vmem>>
    %dma_start3A_138 = arith.constant 0 : i32
    %dma_start3A_139 = tpu.memref_slice %arg4[%add3A_134, %dma_start3A_138] : memref<26624x128xf32, #tpu.memory_space<hbm>> -> memref<64x128xf32, #tpu.memory_space<hbm>>
    %dma_start3A_140 = arith.constant 0 : i32
    %dma_start3A_141 = tpu.memref_slice %arg4[%add3A_134, %dma_start3A_140] : memref<26624x128xf32, #tpu.memory_space<hbm>> -> memref<64x128xf32, #tpu.memory_space<hbm>>
    %dma_start3A_142 = arith.constant 64 : i32
    %dma_start3A_143 = arith.constant 0 : i32
    %dma_start3A_144 = tpu.memref_slice %arg6[%dma_start3A_142, %dma_start3A_143] : memref<832x128xf32, #tpu.memory_space<vmem>> -> memref<64x128xf32, #tpu.memory_space<vmem>>
    tpu.enqueue_dma source(%dma_start3A_144 : memref<64x128xf32, #tpu.memory_space<vmem>>) target(%dma_start3A_141 : memref<64x128xf32, #tpu.memory_space<hbm>>) target_semaphore(%arg20 : memref<!tpu.dma_semaphore, #tpu.memory_space<semaphore_mem>>)
    %dma_wait3A_145 = arith.constant 128 : i32
    %dma_wait3A_146 = arith.constant 0 : i32
    %dma_wait3A_147 = tpu.memref_slice %arg6[%dma_wait3A_145, %dma_wait3A_146] : memref<832x128xf32, #tpu.memory_space<vmem>> -> memref<64x128xf32, #tpu.memory_space<vmem>>
    %dma_wait3A_148 = arith.constant 128 : i32
    %dma_wait3A_149 = tpu.memref_slice %arg5[%dma_wait3A_148] : memref<832xi32, #tpu.memory_space<vmem>> -> memref<64xi32, #tpu.memory_space<vmem>>
    %dma_wait3A_150 = arith.constant 0 : i32
    %dma_wait3A_151 = arith.constant 0 : i32
    %dma_wait3A_152 = tpu.memref_slice %arg3[%dma_wait3A_150, %dma_wait3A_151] : memref<1656x128xf32, #tpu.memory_space<hbm>> -> memref<1656x128xf32, #tpu.memory_space<hbm>>
    tpu.wait_indirect_dma semaphore(%arg9 : memref<!tpu.dma_semaphore, #tpu.memory_space<semaphore_mem>>) src(%dma_wait3A_152 : memref<1656x128xf32, #tpu.memory_space<hbm>>) dst(%dma_wait3A_147 : memref<64x128xf32, #tpu.memory_space<vmem>>)
    %add3A_153 = arith.constant 128 : i32
    %add3A_154 = arith.addi %mul3A_2, %add3A_153 : i32
    %dma_start3A_155 = arith.constant 128 : i32
    %dma_start3A_156 = arith.constant 0 : i32
    %dma_start3A_157 = tpu.memref_slice %arg6[%dma_start3A_155, %dma_start3A_156] : memref<832x128xf32, #tpu.memory_space<vmem>> -> memref<64x128xf32, #tpu.memory_space<vmem>>
    %dma_start3A_158 = arith.constant 0 : i32
    %dma_start3A_159 = tpu.memref_slice %arg4[%add3A_154, %dma_start3A_158] : memref<26624x128xf32, #tpu.memory_space<hbm>> -> memref<64x128xf32, #tpu.memory_space<hbm>>
    %dma_start3A_160 = arith.constant 0 : i32
    %dma_start3A_161 = tpu.memref_slice %arg4[%add3A_154, %dma_start3A_160] : memref<26624x128xf32, #tpu.memory_space<hbm>> -> memref<64x128xf32, #tpu.memory_space<hbm>>
    %dma_start3A_162 = arith.constant 128 : i32
    %dma_start3A_163 = arith.constant 0 : i32
    %dma_start3A_164 = tpu.memref_slice %arg6[%dma_start3A_162, %dma_start3A_163] : memref<832x128xf32, #tpu.memory_space<vmem>> -> memref<64x128xf32, #tpu.memory_space<vmem>>
    tpu.enqueue_dma source(%dma_start3A_164 : memref<64x128xf32, #tpu.memory_space<vmem>>) target(%dma_start3A_161 : memref<64x128xf32, #tpu.memory_space<hbm>>) target_semaphore(%arg20 : memref<!tpu.dma_semaphore, #tpu.memory_space<semaphore_mem>>)
    %dma_wait3A_165 = arith.constant 192 : i32
    %dma_wait3A_166 = arith.constant 0 : i32
    %dma_wait3A_167 = tpu.memref_slice %arg6[%dma_wait3A_165, %dma_wait3A_166] : memref<832x128xf32, #tpu.memory_space<vmem>> -> memref<64x128xf32, #tpu.memory_space<vmem>>
    %dma_wait3A_168 = arith.constant 192 : i32
    %dma_wait3A_169 = tpu.memref_slice %arg5[%dma_wait3A_168] : memref<832xi32, #tpu.memory_space<vmem>> -> memref<64xi32, #tpu.memory_space<vmem>>
    %dma_wait3A_170 = arith.constant 0 : i32
    %dma_wait3A_171 = arith.constant 0 : i32
    %dma_wait3A_172 = tpu.memref_slice %arg3[%dma_wait3A_170, %dma_wait3A_171] : memref<1656x128xf32, #tpu.memory_space<hbm>> -> memref<1656x128xf32, #tpu.memory_space<hbm>>
    tpu.wait_indirect_dma semaphore(%arg10 : memref<!tpu.dma_semaphore, #tpu.memory_space<semaphore_mem>>) src(%dma_wait3A_172 : memref<1656x128xf32, #tpu.memory_space<hbm>>) dst(%dma_wait3A_167 : memref<64x128xf32, #tpu.memory_space<vmem>>)
    %add3A_173 = arith.constant 192 : i32
    %add3A_174 = arith.addi %mul3A_2, %add3A_173 : i32
    %dma_start3A_175 = arith.constant 192 : i32
    %dma_start3A_176 = arith.constant 0 : i32
    %dma_start3A_177 = tpu.memref_slice %arg6[%dma_start3A_175, %dma_start3A_176] : memref<832x128xf32, #tpu.memory_space<vmem>> -> memref<64x128xf32, #tpu.memory_space<vmem>>
    %dma_start3A_178 = arith.constant 0 : i32
    %dma_start3A_179 = tpu.memref_slice %arg4[%add3A_174, %dma_start3A_178] : memref<26624x128xf32, #tpu.memory_space<hbm>> -> memref<64x128xf32, #tpu.memory_space<hbm>>
    %dma_start3A_180 = arith.constant 0 : i32
    %dma_start3A_181 = tpu.memref_slice %arg4[%add3A_174, %dma_start3A_180] : memref<26624x128xf32, #tpu.memory_space<hbm>> -> memref<64x128xf32, #tpu.memory_space<hbm>>
    %dma_start3A_182 = arith.constant 192 : i32
    %dma_start3A_183 = arith.constant 0 : i32
    %dma_start3A_184 = tpu.memref_slice %arg6[%dma_start3A_182, %dma_start3A_183] : memref<832x128xf32, #tpu.memory_space<vmem>> -> memref<64x128xf32, #tpu.memory_space<vmem>>
    tpu.enqueue_dma source(%dma_start3A_184 : memref<64x128xf32, #tpu.memory_space<vmem>>) target(%dma_start3A_181 : memref<64x128xf32, #tpu.memory_space<hbm>>) target_semaphore(%arg20 : memref<!tpu.dma_semaphore, #tpu.memory_space<semaphore_mem>>)
    %dma_wait3A_185 = arith.constant 256 : i32
    %dma_wait3A_186 = arith.constant 0 : i32
    %dma_wait3A_187 = tpu.memref_slice %arg6[%dma_wait3A_185, %dma_wait3A_186] : memref<832x128xf32, #tpu.memory_space<vmem>> -> memref<64x128xf32, #tpu.memory_space<vmem>>
    %dma_wait3A_188 = arith.constant 256 : i32
    %dma_wait3A_189 = tpu.memref_slice %arg5[%dma_wait3A_188] : memref<832xi32, #tpu.memory_space<vmem>> -> memref<64xi32, #tpu.memory_space<vmem>>
    %dma_wait3A_190 = arith.constant 0 : i32
    %dma_wait3A_191 = arith.constant 0 : i32
    %dma_wait3A_192 = tpu.memref_slice %arg3[%dma_wait3A_190, %dma_wait3A_191] : memref<1656x128xf32, #tpu.memory_space<hbm>> -> memref<1656x128xf32, #tpu.memory_space<hbm>>
    tpu.wait_indirect_dma semaphore(%arg11 : memref<!tpu.dma_semaphore, #tpu.memory_space<semaphore_mem>>) src(%dma_wait3A_192 : memref<1656x128xf32, #tpu.memory_space<hbm>>) dst(%dma_wait3A_187 : memref<64x128xf32, #tpu.memory_space<vmem>>)
    %add3A_193 = arith.constant 256 : i32
    %add3A_194 = arith.addi %mul3A_2, %add3A_193 : i32
    %dma_start3A_195 = arith.constant 256 : i32
    %dma_start3A_196 = arith.constant 0 : i32
    %dma_start3A_197 = tpu.memref_slice %arg6[%dma_start3A_195, %dma_start3A_196] : memref<832x128xf32, #tpu.memory_space<vmem>> -> memref<64x128xf32, #tpu.memory_space<vmem>>
    %dma_start3A_198 = arith.constant 0 : i32
    %dma_start3A_199 = tpu.memref_slice %arg4[%add3A_194, %dma_start3A_198] : memref<26624x128xf32, #tpu.memory_space<hbm>> -> memref<64x128xf32, #tpu.memory_space<hbm>>
    %dma_start3A_200 = arith.constant 0 : i32
    %dma_start3A_201 = tpu.memref_slice %arg4[%add3A_194, %dma_start3A_200] : memref<26624x128xf32, #tpu.memory_space<hbm>> -> memref<64x128xf32, #tpu.memory_space<hbm>>
    %dma_start3A_202 = arith.constant 256 : i32
    %dma_start3A_203 = arith.constant 0 : i32
    %dma_start3A_204 = tpu.memref_slice %arg6[%dma_start3A_202, %dma_start3A_203] : memref<832x128xf32, #tpu.memory_space<vmem>> -> memref<64x128xf32, #tpu.memory_space<vmem>>
    tpu.enqueue_dma source(%dma_start3A_204 : memref<64x128xf32, #tpu.memory_space<vmem>>) target(%dma_start3A_201 : memref<64x128xf32, #tpu.memory_space<hbm>>) target_semaphore(%arg20 : memref<!tpu.dma_semaphore, #tpu.memory_space<semaphore_mem>>)
    %dma_wait3A_205 = arith.constant 320 : i32
    %dma_wait3A_206 = arith.constant 0 : i32
    %dma_wait3A_207 = tpu.memref_slice %arg6[%dma_wait3A_205, %dma_wait3A_206] : memref<832x128xf32, #tpu.memory_space<vmem>> -> memref<64x128xf32, #tpu.memory_space<vmem>>
    %dma_wait3A_208 = arith.constant 320 : i32
    %dma_wait3A_209 = tpu.memref_slice %arg5[%dma_wait3A_208] : memref<832xi32, #tpu.memory_space<vmem>> -> memref<64xi32, #tpu.memory_space<vmem>>
    %dma_wait3A_210 = arith.constant 0 : i32
    %dma_wait3A_211 = arith.constant 0 : i32
    %dma_wait3A_212 = tpu.memref_slice %arg3[%dma_wait3A_210, %dma_wait3A_211] : memref<1656x128xf32, #tpu.memory_space<hbm>> -> memref<1656x128xf32, #tpu.memory_space<hbm>>
    tpu.wait_indirect_dma semaphore(%arg12 : memref<!tpu.dma_semaphore, #tpu.memory_space<semaphore_mem>>) src(%dma_wait3A_212 : memref<1656x128xf32, #tpu.memory_space<hbm>>) dst(%dma_wait3A_207 : memref<64x128xf32, #tpu.memory_space<vmem>>)
    %add3A_213 = arith.constant 320 : i32
    %add3A_214 = arith.addi %mul3A_2, %add3A_213 : i32
    %dma_start3A_215 = arith.constant 320 : i32
    %dma_start3A_216 = arith.constant 0 : i32
    %dma_start3A_217 = tpu.memref_slice %arg6[%dma_start3A_215, %dma_start3A_216] : memref<832x128xf32, #tpu.memory_space<vmem>> -> memref<64x128xf32, #tpu.memory_space<vmem>>
    %dma_start3A_218 = arith.constant 0 : i32
    %dma_start3A_219 = tpu.memref_slice %arg4[%add3A_214, %dma_start3A_218] : memref<26624x128xf32, #tpu.memory_space<hbm>> -> memref<64x128xf32, #tpu.memory_space<hbm>>
    %dma_start3A_220 = arith.constant 0 : i32
    %dma_start3A_221 = tpu.memref_slice %arg4[%add3A_214, %dma_start3A_220] : memref<26624x128xf32, #tpu.memory_space<hbm>> -> memref<64x128xf32, #tpu.memory_space<hbm>>
    %dma_start3A_222 = arith.constant 320 : i32
    %dma_start3A_223 = arith.constant 0 : i32
    %dma_start3A_224 = tpu.memref_slice %arg6[%dma_start3A_222, %dma_start3A_223] : memref<832x128xf32, #tpu.memory_space<vmem>> -> memref<64x128xf32, #tpu.memory_space<vmem>>
    tpu.enqueue_dma source(%dma_start3A_224 : memref<64x128xf32, #tpu.memory_space<vmem>>) target(%dma_start3A_221 : memref<64x128xf32, #tpu.memory_space<hbm>>) target_semaphore(%arg20 : memref<!tpu.dma_semaphore, #tpu.memory_space<semaphore_mem>>)
    %dma_wait3A_225 = arith.constant 384 : i32
    %dma_wait3A_226 = arith.constant 0 : i32
    %dma_wait3A_227 = tpu.memref_slice %arg6[%dma_wait3A_225, %dma_wait3A_226] : memref<832x128xf32, #tpu.memory_space<vmem>> -> memref<64x128xf32, #tpu.memory_space<vmem>>
    %dma_wait3A_228 = arith.constant 384 : i32
    %dma_wait3A_229 = tpu.memref_slice %arg5[%dma_wait3A_228] : memref<832xi32, #tpu.memory_space<vmem>> -> memref<64xi32, #tpu.memory_space<vmem>>
    %dma_wait3A_230 = arith.constant 0 : i32
    %dma_wait3A_231 = arith.constant 0 : i32
    %dma_wait3A_232 = tpu.memref_slice %arg3[%dma_wait3A_230, %dma_wait3A_231] : memref<1656x128xf32, #tpu.memory_space<hbm>> -> memref<1656x128xf32, #tpu.memory_space<hbm>>
    tpu.wait_indirect_dma semaphore(%arg13 : memref<!tpu.dma_semaphore, #tpu.memory_space<semaphore_mem>>) src(%dma_wait3A_232 : memref<1656x128xf32, #tpu.memory_space<hbm>>) dst(%dma_wait3A_227 : memref<64x128xf32, #tpu.memory_space<vmem>>)
    %add3A_233 = arith.constant 384 : i32
    %add3A_234 = arith.addi %mul3A_2, %add3A_233 : i32
    %dma_start3A_235 = arith.constant 384 : i32
    %dma_start3A_236 = arith.constant 0 : i32
    %dma_start3A_237 = tpu.memref_slice %arg6[%dma_start3A_235, %dma_start3A_236] : memref<832x128xf32, #tpu.memory_space<vmem>> -> memref<64x128xf32, #tpu.memory_space<vmem>>
    %dma_start3A_238 = arith.constant 0 : i32
    %dma_start3A_239 = tpu.memref_slice %arg4[%add3A_234, %dma_start3A_238] : memref<26624x128xf32, #tpu.memory_space<hbm>> -> memref<64x128xf32, #tpu.memory_space<hbm>>
    %dma_start3A_240 = arith.constant 0 : i32
    %dma_start3A_241 = tpu.memref_slice %arg4[%add3A_234, %dma_start3A_240] : memref<26624x128xf32, #tpu.memory_space<hbm>> -> memref<64x128xf32, #tpu.memory_space<hbm>>
    %dma_start3A_242 = arith.constant 384 : i32
    %dma_start3A_243 = arith.constant 0 : i32
    %dma_start3A_244 = tpu.memref_slice %arg6[%dma_start3A_242, %dma_start3A_243] : memref<832x128xf32, #tpu.memory_space<vmem>> -> memref<64x128xf32, #tpu.memory_space<vmem>>
    tpu.enqueue_dma source(%dma_start3A_244 : memref<64x128xf32, #tpu.memory_space<vmem>>) target(%dma_start3A_241 : memref<64x128xf32, #tpu.memory_space<hbm>>) target_semaphore(%arg20 : memref<!tpu.dma_semaphore, #tpu.memory_space<semaphore_mem>>)
    %dma_wait3A_245 = arith.constant 448 : i32
    %dma_wait3A_246 = arith.constant 0 : i32
    %dma_wait3A_247 = tpu.memref_slice %arg6[%dma_wait3A_245, %dma_wait3A_246] : memref<832x128xf32, #tpu.memory_space<vmem>> -> memref<64x128xf32, #tpu.memory_space<vmem>>
    %dma_wait3A_248 = arith.constant 448 : i32
    %dma_wait3A_249 = tpu.memref_slice %arg5[%dma_wait3A_248] : memref<832xi32, #tpu.memory_space<vmem>> -> memref<64xi32, #tpu.memory_space<vmem>>
    %dma_wait3A_250 = arith.constant 0 : i32
    %dma_wait3A_251 = arith.constant 0 : i32
    %dma_wait3A_252 = tpu.memref_slice %arg3[%dma_wait3A_250, %dma_wait3A_251] : memref<1656x128xf32, #tpu.memory_space<hbm>> -> memref<1656x128xf32, #tpu.memory_space<hbm>>
    tpu.wait_indirect_dma semaphore(%arg14 : memref<!tpu.dma_semaphore, #tpu.memory_space<semaphore_mem>>) src(%dma_wait3A_252 : memref<1656x128xf32, #tpu.memory_space<hbm>>) dst(%dma_wait3A_247 : memref<64x128xf32, #tpu.memory_space<vmem>>)
    %add3A_253 = arith.constant 448 : i32
    %add3A_254 = arith.addi %mul3A_2, %add3A_253 : i32
    %dma_start3A_255 = arith.constant 448 : i32
    %dma_start3A_256 = arith.constant 0 : i32
    %dma_start3A_257 = tpu.memref_slice %arg6[%dma_start3A_255, %dma_start3A_256] : memref<832x128xf32, #tpu.memory_space<vmem>> -> memref<64x128xf32, #tpu.memory_space<vmem>>
    %dma_start3A_258 = arith.constant 0 : i32
    %dma_start3A_259 = tpu.memref_slice %arg4[%add3A_254, %dma_start3A_258] : memref<26624x128xf32, #tpu.memory_space<hbm>> -> memref<64x128xf32, #tpu.memory_space<hbm>>
    %dma_start3A_260 = arith.constant 0 : i32
    %dma_start3A_261 = tpu.memref_slice %arg4[%add3A_254, %dma_start3A_260] : memref<26624x128xf32, #tpu.memory_space<hbm>> -> memref<64x128xf32, #tpu.memory_space<hbm>>
    %dma_start3A_262 = arith.constant 448 : i32
    %dma_start3A_263 = arith.constant 0 : i32
    %dma_start3A_264 = tpu.memref_slice %arg6[%dma_start3A_262, %dma_start3A_263] : memref<832x128xf32, #tpu.memory_space<vmem>> -> memref<64x128xf32, #tpu.memory_space<vmem>>
    tpu.enqueue_dma source(%dma_start3A_264 : memref<64x128xf32, #tpu.memory_space<vmem>>) target(%dma_start3A_261 : memref<64x128xf32, #tpu.memory_space<hbm>>) target_semaphore(%arg20 : memref<!tpu.dma_semaphore, #tpu.memory_space<semaphore_mem>>)
    %dma_wait3A_265 = arith.constant 512 : i32
    %dma_wait3A_266 = arith.constant 0 : i32
    %dma_wait3A_267 = tpu.memref_slice %arg6[%dma_wait3A_265, %dma_wait3A_266] : memref<832x128xf32, #tpu.memory_space<vmem>> -> memref<64x128xf32, #tpu.memory_space<vmem>>
    %dma_wait3A_268 = arith.constant 512 : i32
    %dma_wait3A_269 = tpu.memref_slice %arg5[%dma_wait3A_268] : memref<832xi32, #tpu.memory_space<vmem>> -> memref<64xi32, #tpu.memory_space<vmem>>
    %dma_wait3A_270 = arith.constant 0 : i32
    %dma_wait3A_271 = arith.constant 0 : i32
    %dma_wait3A_272 = tpu.memref_slice %arg3[%dma_wait3A_270, %dma_wait3A_271] : memref<1656x128xf32, #tpu.memory_space<hbm>> -> memref<1656x128xf32, #tpu.memory_space<hbm>>
    tpu.wait_indirect_dma semaphore(%arg15 : memref<!tpu.dma_semaphore, #tpu.memory_space<semaphore_mem>>) src(%dma_wait3A_272 : memref<1656x128xf32, #tpu.memory_space<hbm>>) dst(%dma_wait3A_267 : memref<64x128xf32, #tpu.memory_space<vmem>>)
    %add3A_273 = arith.constant 512 : i32
    %add3A_274 = arith.addi %mul3A_2, %add3A_273 : i32
    %dma_start3A_275 = arith.constant 512 : i32
    %dma_start3A_276 = arith.constant 0 : i32
    %dma_start3A_277 = tpu.memref_slice %arg6[%dma_start3A_275, %dma_start3A_276] : memref<832x128xf32, #tpu.memory_space<vmem>> -> memref<64x128xf32, #tpu.memory_space<vmem>>
    %dma_start3A_278 = arith.constant 0 : i32
    %dma_start3A_279 = tpu.memref_slice %arg4[%add3A_274, %dma_start3A_278] : memref<26624x128xf32, #tpu.memory_space<hbm>> -> memref<64x128xf32, #tpu.memory_space<hbm>>
    %dma_start3A_280 = arith.constant 0 : i32
    %dma_start3A_281 = tpu.memref_slice %arg4[%add3A_274, %dma_start3A_280] : memref<26624x128xf32, #tpu.memory_space<hbm>> -> memref<64x128xf32, #tpu.memory_space<hbm>>
    %dma_start3A_282 = arith.constant 512 : i32
    %dma_start3A_283 = arith.constant 0 : i32
    %dma_start3A_284 = tpu.memref_slice %arg6[%dma_start3A_282, %dma_start3A_283] : memref<832x128xf32, #tpu.memory_space<vmem>> -> memref<64x128xf32, #tpu.memory_space<vmem>>
    tpu.enqueue_dma source(%dma_start3A_284 : memref<64x128xf32, #tpu.memory_space<vmem>>) target(%dma_start3A_281 : memref<64x128xf32, #tpu.memory_space<hbm>>) target_semaphore(%arg20 : memref<!tpu.dma_semaphore, #tpu.memory_space<semaphore_mem>>)
    %dma_wait3A_285 = arith.constant 576 : i32
    %dma_wait3A_286 = arith.constant 0 : i32
    %dma_wait3A_287 = tpu.memref_slice %arg6[%dma_wait3A_285, %dma_wait3A_286] : memref<832x128xf32, #tpu.memory_space<vmem>> -> memref<64x128xf32, #tpu.memory_space<vmem>>
    %dma_wait3A_288 = arith.constant 576 : i32
    %dma_wait3A_289 = tpu.memref_slice %arg5[%dma_wait3A_288] : memref<832xi32, #tpu.memory_space<vmem>> -> memref<64xi32, #tpu.memory_space<vmem>>
    %dma_wait3A_290 = arith.constant 0 : i32
    %dma_wait3A_291 = arith.constant 0 : i32
    %dma_wait3A_292 = tpu.memref_slice %arg3[%dma_wait3A_290, %dma_wait3A_291] : memref<1656x128xf32, #tpu.memory_space<hbm>> -> memref<1656x128xf32, #tpu.memory_space<hbm>>
    tpu.wait_indirect_dma semaphore(%arg16 : memref<!tpu.dma_semaphore, #tpu.memory_space<semaphore_mem>>) src(%dma_wait3A_292 : memref<1656x128xf32, #tpu.memory_space<hbm>>) dst(%dma_wait3A_287 : memref<64x128xf32, #tpu.memory_space<vmem>>)
    %add3A_293 = arith.constant 576 : i32
    %add3A_294 = arith.addi %mul3A_2, %add3A_293 : i32
    %dma_start3A_295 = arith.constant 576 : i32
    %dma_start3A_296 = arith.constant 0 : i32
    %dma_start3A_297 = tpu.memref_slice %arg6[%dma_start3A_295, %dma_start3A_296] : memref<832x128xf32, #tpu.memory_space<vmem>> -> memref<64x128xf32, #tpu.memory_space<vmem>>
    %dma_start3A_298 = arith.constant 0 : i32
    %dma_start3A_299 = tpu.memref_slice %arg4[%add3A_294, %dma_start3A_298] : memref<26624x128xf32, #tpu.memory_space<hbm>> -> memref<64x128xf32, #tpu.memory_space<hbm>>
    %dma_start3A_300 = arith.constant 0 : i32
    %dma_start3A_301 = tpu.memref_slice %arg4[%add3A_294, %dma_start3A_300] : memref<26624x128xf32, #tpu.memory_space<hbm>> -> memref<64x128xf32, #tpu.memory_space<hbm>>
    %dma_start3A_302 = arith.constant 576 : i32
    %dma_start3A_303 = arith.constant 0 : i32
    %dma_start3A_304 = tpu.memref_slice %arg6[%dma_start3A_302, %dma_start3A_303] : memref<832x128xf32, #tpu.memory_space<vmem>> -> memref<64x128xf32, #tpu.memory_space<vmem>>
    tpu.enqueue_dma source(%dma_start3A_304 : memref<64x128xf32, #tpu.memory_space<vmem>>) target(%dma_start3A_301 : memref<64x128xf32, #tpu.memory_space<hbm>>) target_semaphore(%arg20 : memref<!tpu.dma_semaphore, #tpu.memory_space<semaphore_mem>>)
    %dma_wait3A_305 = arith.constant 640 : i32
    %dma_wait3A_306 = arith.constant 0 : i32
    %dma_wait3A_307 = tpu.memref_slice %arg6[%dma_wait3A_305, %dma_wait3A_306] : memref<832x128xf32, #tpu.memory_space<vmem>> -> memref<64x128xf32, #tpu.memory_space<vmem>>
    %dma_wait3A_308 = arith.constant 640 : i32
    %dma_wait3A_309 = tpu.memref_slice %arg5[%dma_wait3A_308] : memref<832xi32, #tpu.memory_space<vmem>> -> memref<64xi32, #tpu.memory_space<vmem>>
    %dma_wait3A_310 = arith.constant 0 : i32
    %dma_wait3A_311 = arith.constant 0 : i32
    %dma_wait3A_312 = tpu.memref_slice %arg3[%dma_wait3A_310, %dma_wait3A_311] : memref<1656x128xf32, #tpu.memory_space<hbm>> -> memref<1656x128xf32, #tpu.memory_space<hbm>>
    tpu.wait_indirect_dma semaphore(%arg17 : memref<!tpu.dma_semaphore, #tpu.memory_space<semaphore_mem>>) src(%dma_wait3A_312 : memref<1656x128xf32, #tpu.memory_space<hbm>>) dst(%dma_wait3A_307 : memref<64x128xf32, #tpu.memory_space<vmem>>)
    %add3A_313 = arith.constant 640 : i32
    %add3A_314 = arith.addi %mul3A_2, %add3A_313 : i32
    %dma_start3A_315 = arith.constant 640 : i32
    %dma_start3A_316 = arith.constant 0 : i32
    %dma_start3A_317 = tpu.memref_slice %arg6[%dma_start3A_315, %dma_start3A_316] : memref<832x128xf32, #tpu.memory_space<vmem>> -> memref<64x128xf32, #tpu.memory_space<vmem>>
    %dma_start3A_318 = arith.constant 0 : i32
    %dma_start3A_319 = tpu.memref_slice %arg4[%add3A_314, %dma_start3A_318] : memref<26624x128xf32, #tpu.memory_space<hbm>> -> memref<64x128xf32, #tpu.memory_space<hbm>>
    %dma_start3A_320 = arith.constant 0 : i32
    %dma_start3A_321 = tpu.memref_slice %arg4[%add3A_314, %dma_start3A_320] : memref<26624x128xf32, #tpu.memory_space<hbm>> -> memref<64x128xf32, #tpu.memory_space<hbm>>
    %dma_start3A_322 = arith.constant 640 : i32
    %dma_start3A_323 = arith.constant 0 : i32
    %dma_start3A_324 = tpu.memref_slice %arg6[%dma_start3A_322, %dma_start3A_323] : memref<832x128xf32, #tpu.memory_space<vmem>> -> memref<64x128xf32, #tpu.memory_space<vmem>>
    tpu.enqueue_dma source(%dma_start3A_324 : memref<64x128xf32, #tpu.memory_space<vmem>>) target(%dma_start3A_321 : memref<64x128xf32, #tpu.memory_space<hbm>>) target_semaphore(%arg20 : memref<!tpu.dma_semaphore, #tpu.memory_space<semaphore_mem>>)
    %dma_wait3A_325 = arith.constant 704 : i32
    %dma_wait3A_326 = arith.constant 0 : i32
    %dma_wait3A_327 = tpu.memref_slice %arg6[%dma_wait3A_325, %dma_wait3A_326] : memref<832x128xf32, #tpu.memory_space<vmem>> -> memref<64x128xf32, #tpu.memory_space<vmem>>
    %dma_wait3A_328 = arith.constant 704 : i32
    %dma_wait3A_329 = tpu.memref_slice %arg5[%dma_wait3A_328] : memref<832xi32, #tpu.memory_space<vmem>> -> memref<64xi32, #tpu.memory_space<vmem>>
    %dma_wait3A_330 = arith.constant 0 : i32
    %dma_wait3A_331 = arith.constant 0 : i32
    %dma_wait3A_332 = tpu.memref_slice %arg3[%dma_wait3A_330, %dma_wait3A_331] : memref<1656x128xf32, #tpu.memory_space<hbm>> -> memref<1656x128xf32, #tpu.memory_space<hbm>>
    tpu.wait_indirect_dma semaphore(%arg18 : memref<!tpu.dma_semaphore, #tpu.memory_space<semaphore_mem>>) src(%dma_wait3A_332 : memref<1656x128xf32, #tpu.memory_space<hbm>>) dst(%dma_wait3A_327 : memref<64x128xf32, #tpu.memory_space<vmem>>)
    %add3A_333 = arith.constant 704 : i32
    %add3A_334 = arith.addi %mul3A_2, %add3A_333 : i32
    %dma_start3A_335 = arith.constant 704 : i32
    %dma_start3A_336 = arith.constant 0 : i32
    %dma_start3A_337 = tpu.memref_slice %arg6[%dma_start3A_335, %dma_start3A_336] : memref<832x128xf32, #tpu.memory_space<vmem>> -> memref<64x128xf32, #tpu.memory_space<vmem>>
    %dma_start3A_338 = arith.constant 0 : i32
    %dma_start3A_339 = tpu.memref_slice %arg4[%add3A_334, %dma_start3A_338] : memref<26624x128xf32, #tpu.memory_space<hbm>> -> memref<64x128xf32, #tpu.memory_space<hbm>>
    %dma_start3A_340 = arith.constant 0 : i32
    %dma_start3A_341 = tpu.memref_slice %arg4[%add3A_334, %dma_start3A_340] : memref<26624x128xf32, #tpu.memory_space<hbm>> -> memref<64x128xf32, #tpu.memory_space<hbm>>
    %dma_start3A_342 = arith.constant 704 : i32
    %dma_start3A_343 = arith.constant 0 : i32
    %dma_start3A_344 = tpu.memref_slice %arg6[%dma_start3A_342, %dma_start3A_343] : memref<832x128xf32, #tpu.memory_space<vmem>> -> memref<64x128xf32, #tpu.memory_space<vmem>>
    tpu.enqueue_dma source(%dma_start3A_344 : memref<64x128xf32, #tpu.memory_space<vmem>>) target(%dma_start3A_341 : memref<64x128xf32, #tpu.memory_space<hbm>>) target_semaphore(%arg20 : memref<!tpu.dma_semaphore, #tpu.memory_space<semaphore_mem>>)
    %dma_wait3A_345 = arith.constant 768 : i32
    %dma_wait3A_346 = arith.constant 0 : i32
    %dma_wait3A_347 = tpu.memref_slice %arg6[%dma_wait3A_345, %dma_wait3A_346] : memref<832x128xf32, #tpu.memory_space<vmem>> -> memref<64x128xf32, #tpu.memory_space<vmem>>
    %dma_wait3A_348 = arith.constant 768 : i32
    %dma_wait3A_349 = tpu.memref_slice %arg5[%dma_wait3A_348] : memref<832xi32, #tpu.memory_space<vmem>> -> memref<64xi32, #tpu.memory_space<vmem>>
    %dma_wait3A_350 = arith.constant 0 : i32
    %dma_wait3A_351 = arith.constant 0 : i32
    %dma_wait3A_352 = tpu.memref_slice %arg3[%dma_wait3A_350, %dma_wait3A_351] : memref<1656x128xf32, #tpu.memory_space<hbm>> -> memref<1656x128xf32, #tpu.memory_space<hbm>>
    tpu.wait_indirect_dma semaphore(%arg19 : memref<!tpu.dma_semaphore, #tpu.memory_space<semaphore_mem>>) src(%dma_wait3A_352 : memref<1656x128xf32, #tpu.memory_space<hbm>>) dst(%dma_wait3A_347 : memref<64x128xf32, #tpu.memory_space<vmem>>)
    %add3A_353 = arith.constant 768 : i32
    %add3A_354 = arith.addi %mul3A_2, %add3A_353 : i32
    %dma_start3A_355 = arith.constant 768 : i32
    %dma_start3A_356 = arith.constant 0 : i32
    %dma_start3A_357 = tpu.memref_slice %arg6[%dma_start3A_355, %dma_start3A_356] : memref<832x128xf32, #tpu.memory_space<vmem>> -> memref<64x128xf32, #tpu.memory_space<vmem>>
    %dma_start3A_358 = arith.constant 0 : i32
    %dma_start3A_359 = tpu.memref_slice %arg4[%add3A_354, %dma_start3A_358] : memref<26624x128xf32, #tpu.memory_space<hbm>> -> memref<64x128xf32, #tpu.memory_space<hbm>>
    %dma_start3A_360 = arith.constant 0 : i32
    %dma_start3A_361 = tpu.memref_slice %arg4[%add3A_354, %dma_start3A_360] : memref<26624x128xf32, #tpu.memory_space<hbm>> -> memref<64x128xf32, #tpu.memory_space<hbm>>
    %dma_start3A_362 = arith.constant 768 : i32
    %dma_start3A_363 = arith.constant 0 : i32
    %dma_start3A_364 = tpu.memref_slice %arg6[%dma_start3A_362, %dma_start3A_363] : memref<832x128xf32, #tpu.memory_space<vmem>> -> memref<64x128xf32, #tpu.memory_space<vmem>>
    tpu.enqueue_dma source(%dma_start3A_364 : memref<64x128xf32, #tpu.memory_space<vmem>>) target(%dma_start3A_361 : memref<64x128xf32, #tpu.memory_space<hbm>>) target_semaphore(%arg20 : memref<!tpu.dma_semaphore, #tpu.memory_space<semaphore_mem>>)
    %dma_wait3A_365 = arith.constant 0 : i32
    %dma_wait3A_366 = arith.constant 0 : i32
    %dma_wait3A_367 = tpu.memref_slice %arg6[%dma_wait3A_365, %dma_wait3A_366] : memref<832x128xf32, #tpu.memory_space<vmem>> -> memref<64x128xf32, #tpu.memory_space<vmem>>
    %dma_wait3A_368 = arith.constant 0 : i32
    %dma_wait3A_369 = tpu.memref_slice %arg4[%add3A_114, %dma_wait3A_368] : memref<26624x128xf32, #tpu.memory_space<hbm>> -> memref<64x128xf32, #tpu.memory_space<hbm>>
    %dma_wait3A_370 = arith.constant 0 : i32
    %dma_wait3A_371 = tpu.memref_slice %arg4[%add3A_114, %dma_wait3A_370] : memref<26624x128xf32, #tpu.memory_space<hbm>> -> memref<64x128xf32, #tpu.memory_space<hbm>>
    %dma_wait3A_372 = arith.constant 0 : i32
    %dma_wait3A_373 = arith.constant 0 : i32
    %dma_wait3A_374 = tpu.memref_slice %arg6[%dma_wait3A_372, %dma_wait3A_373] : memref<832x128xf32, #tpu.memory_space<vmem>> -> memref<64x128xf32, #tpu.memory_space<vmem>>
    tpu.wait_dma2 semaphore(%arg20 : memref<!tpu.dma_semaphore, #tpu.memory_space<semaphore_mem>>) src(%dma_wait3A_374 : memref<64x128xf32, #tpu.memory_space<vmem>>) dst(%dma_wait3A_371 : memref<64x128xf32, #tpu.memory_space<hbm>>)
    %dma_wait3A_375 = arith.constant 64 : i32
    %dma_wait3A_376 = arith.constant 0 : i32
    %dma_wait3A_377 = tpu.memref_slice %arg6[%dma_wait3A_375, %dma_wait3A_376] : memref<832x128xf32, #tpu.memory_space<vmem>> -> memref<64x128xf32, #tpu.memory_space<vmem>>
    %dma_wait3A_378 = arith.constant 0 : i32
    %dma_wait3A_379 = tpu.memref_slice %arg4[%add3A_134, %dma_wait3A_378] : memref<26624x128xf32, #tpu.memory_space<hbm>> -> memref<64x128xf32, #tpu.memory_space<hbm>>
    %dma_wait3A_380 = arith.constant 0 : i32
    %dma_wait3A_381 = tpu.memref_slice %arg4[%add3A_134, %dma_wait3A_380] : memref<26624x128xf32, #tpu.memory_space<hbm>> -> memref<64x128xf32, #tpu.memory_space<hbm>>
    %dma_wait3A_382 = arith.constant 64 : i32
    %dma_wait3A_383 = arith.constant 0 : i32
    %dma_wait3A_384 = tpu.memref_slice %arg6[%dma_wait3A_382, %dma_wait3A_383] : memref<832x128xf32, #tpu.memory_space<vmem>> -> memref<64x128xf32, #tpu.memory_space<vmem>>
    tpu.wait_dma2 semaphore(%arg20 : memref<!tpu.dma_semaphore, #tpu.memory_space<semaphore_mem>>) src(%dma_wait3A_384 : memref<64x128xf32, #tpu.memory_space<vmem>>) dst(%dma_wait3A_381 : memref<64x128xf32, #tpu.memory_space<hbm>>)
    %dma_wait3A_385 = arith.constant 128 : i32
    %dma_wait3A_386 = arith.constant 0 : i32
    %dma_wait3A_387 = tpu.memref_slice %arg6[%dma_wait3A_385, %dma_wait3A_386] : memref<832x128xf32, #tpu.memory_space<vmem>> -> memref<64x128xf32, #tpu.memory_space<vmem>>
    %dma_wait3A_388 = arith.constant 0 : i32
    %dma_wait3A_389 = tpu.memref_slice %arg4[%add3A_154, %dma_wait3A_388] : memref<26624x128xf32, #tpu.memory_space<hbm>> -> memref<64x128xf32, #tpu.memory_space<hbm>>
    %dma_wait3A_390 = arith.constant 0 : i32
    %dma_wait3A_391 = tpu.memref_slice %arg4[%add3A_154, %dma_wait3A_390] : memref<26624x128xf32, #tpu.memory_space<hbm>> -> memref<64x128xf32, #tpu.memory_space<hbm>>
    %dma_wait3A_392 = arith.constant 128 : i32
    %dma_wait3A_393 = arith.constant 0 : i32
    %dma_wait3A_394 = tpu.memref_slice %arg6[%dma_wait3A_392, %dma_wait3A_393] : memref<832x128xf32, #tpu.memory_space<vmem>> -> memref<64x128xf32, #tpu.memory_space<vmem>>
    tpu.wait_dma2 semaphore(%arg20 : memref<!tpu.dma_semaphore, #tpu.memory_space<semaphore_mem>>) src(%dma_wait3A_394 : memref<64x128xf32, #tpu.memory_space<vmem>>) dst(%dma_wait3A_391 : memref<64x128xf32, #tpu.memory_space<hbm>>)
    %dma_wait3A_395 = arith.constant 192 : i32
    %dma_wait3A_396 = arith.constant 0 : i32
    %dma_wait3A_397 = tpu.memref_slice %arg6[%dma_wait3A_395, %dma_wait3A_396] : memref<832x128xf32, #tpu.memory_space<vmem>> -> memref<64x128xf32, #tpu.memory_space<vmem>>
    %dma_wait3A_398 = arith.constant 0 : i32
    %dma_wait3A_399 = tpu.memref_slice %arg4[%add3A_174, %dma_wait3A_398] : memref<26624x128xf32, #tpu.memory_space<hbm>> -> memref<64x128xf32, #tpu.memory_space<hbm>>
    %dma_wait3A_400 = arith.constant 0 : i32
    %dma_wait3A_401 = tpu.memref_slice %arg4[%add3A_174, %dma_wait3A_400] : memref<26624x128xf32, #tpu.memory_space<hbm>> -> memref<64x128xf32, #tpu.memory_space<hbm>>
    %dma_wait3A_402 = arith.constant 192 : i32
    %dma_wait3A_403 = arith.constant 0 : i32
    %dma_wait3A_404 = tpu.memref_slice %arg6[%dma_wait3A_402, %dma_wait3A_403] : memref<832x128xf32, #tpu.memory_space<vmem>> -> memref<64x128xf32, #tpu.memory_space<vmem>>
    tpu.wait_dma2 semaphore(%arg20 : memref<!tpu.dma_semaphore, #tpu.memory_space<semaphore_mem>>) src(%dma_wait3A_404 : memref<64x128xf32, #tpu.memory_space<vmem>>) dst(%dma_wait3A_401 : memref<64x128xf32, #tpu.memory_space<hbm>>)
    %dma_wait3A_405 = arith.constant 256 : i32
    %dma_wait3A_406 = arith.constant 0 : i32
    %dma_wait3A_407 = tpu.memref_slice %arg6[%dma_wait3A_405, %dma_wait3A_406] : memref<832x128xf32, #tpu.memory_space<vmem>> -> memref<64x128xf32, #tpu.memory_space<vmem>>
    %dma_wait3A_408 = arith.constant 0 : i32
    %dma_wait3A_409 = tpu.memref_slice %arg4[%add3A_194, %dma_wait3A_408] : memref<26624x128xf32, #tpu.memory_space<hbm>> -> memref<64x128xf32, #tpu.memory_space<hbm>>
    %dma_wait3A_410 = arith.constant 0 : i32
    %dma_wait3A_411 = tpu.memref_slice %arg4[%add3A_194, %dma_wait3A_410] : memref<26624x128xf32, #tpu.memory_space<hbm>> -> memref<64x128xf32, #tpu.memory_space<hbm>>
    %dma_wait3A_412 = arith.constant 256 : i32
    %dma_wait3A_413 = arith.constant 0 : i32
    %dma_wait3A_414 = tpu.memref_slice %arg6[%dma_wait3A_412, %dma_wait3A_413] : memref<832x128xf32, #tpu.memory_space<vmem>> -> memref<64x128xf32, #tpu.memory_space<vmem>>
    tpu.wait_dma2 semaphore(%arg20 : memref<!tpu.dma_semaphore, #tpu.memory_space<semaphore_mem>>) src(%dma_wait3A_414 : memref<64x128xf32, #tpu.memory_space<vmem>>) dst(%dma_wait3A_411 : memref<64x128xf32, #tpu.memory_space<hbm>>)
    %dma_wait3A_415 = arith.constant 320 : i32
    %dma_wait3A_416 = arith.constant 0 : i32
    %dma_wait3A_417 = tpu.memref_slice %arg6[%dma_wait3A_415, %dma_wait3A_416] : memref<832x128xf32, #tpu.memory_space<vmem>> -> memref<64x128xf32, #tpu.memory_space<vmem>>
    %dma_wait3A_418 = arith.constant 0 : i32
    %dma_wait3A_419 = tpu.memref_slice %arg4[%add3A_214, %dma_wait3A_418] : memref<26624x128xf32, #tpu.memory_space<hbm>> -> memref<64x128xf32, #tpu.memory_space<hbm>>
    %dma_wait3A_420 = arith.constant 0 : i32
    %dma_wait3A_421 = tpu.memref_slice %arg4[%add3A_214, %dma_wait3A_420] : memref<26624x128xf32, #tpu.memory_space<hbm>> -> memref<64x128xf32, #tpu.memory_space<hbm>>
    %dma_wait3A_422 = arith.constant 320 : i32
    %dma_wait3A_423 = arith.constant 0 : i32
    %dma_wait3A_424 = tpu.memref_slice %arg6[%dma_wait3A_422, %dma_wait3A_423] : memref<832x128xf32, #tpu.memory_space<vmem>> -> memref<64x128xf32, #tpu.memory_space<vmem>>
    tpu.wait_dma2 semaphore(%arg20 : memref<!tpu.dma_semaphore, #tpu.memory_space<semaphore_mem>>) src(%dma_wait3A_424 : memref<64x128xf32, #tpu.memory_space<vmem>>) dst(%dma_wait3A_421 : memref<64x128xf32, #tpu.memory_space<hbm>>)
    %dma_wait3A_425 = arith.constant 384 : i32
    %dma_wait3A_426 = arith.constant 0 : i32
    %dma_wait3A_427 = tpu.memref_slice %arg6[%dma_wait3A_425, %dma_wait3A_426] : memref<832x128xf32, #tpu.memory_space<vmem>> -> memref<64x128xf32, #tpu.memory_space<vmem>>
    %dma_wait3A_428 = arith.constant 0 : i32
    %dma_wait3A_429 = tpu.memref_slice %arg4[%add3A_234, %dma_wait3A_428] : memref<26624x128xf32, #tpu.memory_space<hbm>> -> memref<64x128xf32, #tpu.memory_space<hbm>>
    %dma_wait3A_430 = arith.constant 0 : i32
    %dma_wait3A_431 = tpu.memref_slice %arg4[%add3A_234, %dma_wait3A_430] : memref<26624x128xf32, #tpu.memory_space<hbm>> -> memref<64x128xf32, #tpu.memory_space<hbm>>
    %dma_wait3A_432 = arith.constant 384 : i32
    %dma_wait3A_433 = arith.constant 0 : i32
    %dma_wait3A_434 = tpu.memref_slice %arg6[%dma_wait3A_432, %dma_wait3A_433] : memref<832x128xf32, #tpu.memory_space<vmem>> -> memref<64x128xf32, #tpu.memory_space<vmem>>
    tpu.wait_dma2 semaphore(%arg20 : memref<!tpu.dma_semaphore, #tpu.memory_space<semaphore_mem>>) src(%dma_wait3A_434 : memref<64x128xf32, #tpu.memory_space<vmem>>) dst(%dma_wait3A_431 : memref<64x128xf32, #tpu.memory_space<hbm>>)
    %dma_wait3A_435 = arith.constant 448 : i32
    %dma_wait3A_436 = arith.constant 0 : i32
    %dma_wait3A_437 = tpu.memref_slice %arg6[%dma_wait3A_435, %dma_wait3A_436] : memref<832x128xf32, #tpu.memory_space<vmem>> -> memref<64x128xf32, #tpu.memory_space<vmem>>
    %dma_wait3A_438 = arith.constant 0 : i32
    %dma_wait3A_439 = tpu.memref_slice %arg4[%add3A_254, %dma_wait3A_438] : memref<26624x128xf32, #tpu.memory_space<hbm>> -> memref<64x128xf32, #tpu.memory_space<hbm>>
    %dma_wait3A_440 = arith.constant 0 : i32
    %dma_wait3A_441 = tpu.memref_slice %arg4[%add3A_254, %dma_wait3A_440] : memref<26624x128xf32, #tpu.memory_space<hbm>> -> memref<64x128xf32, #tpu.memory_space<hbm>>
    %dma_wait3A_442 = arith.constant 448 : i32
    %dma_wait3A_443 = arith.constant 0 : i32
    %dma_wait3A_444 = tpu.memref_slice %arg6[%dma_wait3A_442, %dma_wait3A_443] : memref<832x128xf32, #tpu.memory_space<vmem>> -> memref<64x128xf32, #tpu.memory_space<vmem>>
    tpu.wait_dma2 semaphore(%arg20 : memref<!tpu.dma_semaphore, #tpu.memory_space<semaphore_mem>>) src(%dma_wait3A_444 : memref<64x128xf32, #tpu.memory_space<vmem>>) dst(%dma_wait3A_441 : memref<64x128xf32, #tpu.memory_space<hbm>>)
    %dma_wait3A_445 = arith.constant 512 : i32
    %dma_wait3A_446 = arith.constant 0 : i32
    %dma_wait3A_447 = tpu.memref_slice %arg6[%dma_wait3A_445, %dma_wait3A_446] : memref<832x128xf32, #tpu.memory_space<vmem>> -> memref<64x128xf32, #tpu.memory_space<vmem>>
    %dma_wait3A_448 = arith.constant 0 : i32
    %dma_wait3A_449 = tpu.memref_slice %arg4[%add3A_274, %dma_wait3A_448] : memref<26624x128xf32, #tpu.memory_space<hbm>> -> memref<64x128xf32, #tpu.memory_space<hbm>>
    %dma_wait3A_450 = arith.constant 0 : i32
    %dma_wait3A_451 = tpu.memref_slice %arg4[%add3A_274, %dma_wait3A_450] : memref<26624x128xf32, #tpu.memory_space<hbm>> -> memref<64x128xf32, #tpu.memory_space<hbm>>
    %dma_wait3A_452 = arith.constant 512 : i32
    %dma_wait3A_453 = arith.constant 0 : i32
    %dma_wait3A_454 = tpu.memref_slice %arg6[%dma_wait3A_452, %dma_wait3A_453] : memref<832x128xf32, #tpu.memory_space<vmem>> -> memref<64x128xf32, #tpu.memory_space<vmem>>
    tpu.wait_dma2 semaphore(%arg20 : memref<!tpu.dma_semaphore, #tpu.memory_space<semaphore_mem>>) src(%dma_wait3A_454 : memref<64x128xf32, #tpu.memory_space<vmem>>) dst(%dma_wait3A_451 : memref<64x128xf32, #tpu.memory_space<hbm>>)
    %dma_wait3A_455 = arith.constant 576 : i32
    %dma_wait3A_456 = arith.constant 0 : i32
    %dma_wait3A_457 = tpu.memref_slice %arg6[%dma_wait3A_455, %dma_wait3A_456] : memref<832x128xf32, #tpu.memory_space<vmem>> -> memref<64x128xf32, #tpu.memory_space<vmem>>
    %dma_wait3A_458 = arith.constant 0 : i32
    %dma_wait3A_459 = tpu.memref_slice %arg4[%add3A_294, %dma_wait3A_458] : memref<26624x128xf32, #tpu.memory_space<hbm>> -> memref<64x128xf32, #tpu.memory_space<hbm>>
    %dma_wait3A_460 = arith.constant 0 : i32
    %dma_wait3A_461 = tpu.memref_slice %arg4[%add3A_294, %dma_wait3A_460] : memref<26624x128xf32, #tpu.memory_space<hbm>> -> memref<64x128xf32, #tpu.memory_space<hbm>>
    %dma_wait3A_462 = arith.constant 576 : i32
    %dma_wait3A_463 = arith.constant 0 : i32
    %dma_wait3A_464 = tpu.memref_slice %arg6[%dma_wait3A_462, %dma_wait3A_463] : memref<832x128xf32, #tpu.memory_space<vmem>> -> memref<64x128xf32, #tpu.memory_space<vmem>>
    tpu.wait_dma2 semaphore(%arg20 : memref<!tpu.dma_semaphore, #tpu.memory_space<semaphore_mem>>) src(%dma_wait3A_464 : memref<64x128xf32, #tpu.memory_space<vmem>>) dst(%dma_wait3A_461 : memref<64x128xf32, #tpu.memory_space<hbm>>)
    %dma_wait3A_465 = arith.constant 640 : i32
    %dma_wait3A_466 = arith.constant 0 : i32
    %dma_wait3A_467 = tpu.memref_slice %arg6[%dma_wait3A_465, %dma_wait3A_466] : memref<832x128xf32, #tpu.memory_space<vmem>> -> memref<64x128xf32, #tpu.memory_space<vmem>>
    %dma_wait3A_468 = arith.constant 0 : i32
    %dma_wait3A_469 = tpu.memref_slice %arg4[%add3A_314, %dma_wait3A_468] : memref<26624x128xf32, #tpu.memory_space<hbm>> -> memref<64x128xf32, #tpu.memory_space<hbm>>
    %dma_wait3A_470 = arith.constant 0 : i32
    %dma_wait3A_471 = tpu.memref_slice %arg4[%add3A_314, %dma_wait3A_470] : memref<26624x128xf32, #tpu.memory_space<hbm>> -> memref<64x128xf32, #tpu.memory_space<hbm>>
    %dma_wait3A_472 = arith.constant 640 : i32
    %dma_wait3A_473 = arith.constant 0 : i32
    %dma_wait3A_474 = tpu.memref_slice %arg6[%dma_wait3A_472, %dma_wait3A_473] : memref<832x128xf32, #tpu.memory_space<vmem>> -> memref<64x128xf32, #tpu.memory_space<vmem>>
    tpu.wait_dma2 semaphore(%arg20 : memref<!tpu.dma_semaphore, #tpu.memory_space<semaphore_mem>>) src(%dma_wait3A_474 : memref<64x128xf32, #tpu.memory_space<vmem>>) dst(%dma_wait3A_471 : memref<64x128xf32, #tpu.memory_space<hbm>>)
    %dma_wait3A_475 = arith.constant 704 : i32
    %dma_wait3A_476 = arith.constant 0 : i32
    %dma_wait3A_477 = tpu.memref_slice %arg6[%dma_wait3A_475, %dma_wait3A_476] : memref<832x128xf32, #tpu.memory_space<vmem>> -> memref<64x128xf32, #tpu.memory_space<vmem>>
    %dma_wait3A_478 = arith.constant 0 : i32
    %dma_wait3A_479 = tpu.memref_slice %arg4[%add3A_334, %dma_wait3A_478] : memref<26624x128xf32, #tpu.memory_space<hbm>> -> memref<64x128xf32, #tpu.memory_space<hbm>>
    %dma_wait3A_480 = arith.constant 0 : i32
    %dma_wait3A_481 = tpu.memref_slice %arg4[%add3A_334, %dma_wait3A_480] : memref<26624x128xf32, #tpu.memory_space<hbm>> -> memref<64x128xf32, #tpu.memory_space<hbm>>
    %dma_wait3A_482 = arith.constant 704 : i32
    %dma_wait3A_483 = arith.constant 0 : i32
    %dma_wait3A_484 = tpu.memref_slice %arg6[%dma_wait3A_482, %dma_wait3A_483] : memref<832x128xf32, #tpu.memory_space<vmem>> -> memref<64x128xf32, #tpu.memory_space<vmem>>
    tpu.wait_dma2 semaphore(%arg20 : memref<!tpu.dma_semaphore, #tpu.memory_space<semaphore_mem>>) src(%dma_wait3A_484 : memref<64x128xf32, #tpu.memory_space<vmem>>) dst(%dma_wait3A_481 : memref<64x128xf32, #tpu.memory_space<hbm>>)
    %dma_wait3A_485 = arith.constant 768 : i32
    %dma_wait3A_486 = arith.constant 0 : i32
    %dma_wait3A_487 = tpu.memref_slice %arg6[%dma_wait3A_485, %dma_wait3A_486] : memref<832x128xf32, #tpu.memory_space<vmem>> -> memref<64x128xf32, #tpu.memory_space<vmem>>
    %dma_wait3A_488 = arith.constant 0 : i32
    %dma_wait3A_489 = tpu.memref_slice %arg4[%add3A_354, %dma_wait3A_488] : memref<26624x128xf32, #tpu.memory_space<hbm>> -> memref<64x128xf32, #tpu.memory_space<hbm>>
    %dma_wait3A_490 = arith.constant 0 : i32
    %dma_wait3A_491 = tpu.memref_slice %arg4[%add3A_354, %dma_wait3A_490] : memref<26624x128xf32, #tpu.memory_space<hbm>> -> memref<64x128xf32, #tpu.memory_space<hbm>>
    %dma_wait3A_492 = arith.constant 768 : i32
    %dma_wait3A_493 = arith.constant 0 : i32
    %dma_wait3A_494 = tpu.memref_slice %arg6[%dma_wait3A_492, %dma_wait3A_493] : memref<832x128xf32, #tpu.memory_space<vmem>> -> memref<64x128xf32, #tpu.memory_space<vmem>>
    tpu.wait_dma2 semaphore(%arg20 : memref<!tpu.dma_semaphore, #tpu.memory_space<semaphore_mem>>) src(%dma_wait3A_494 : memref<64x128xf32, #tpu.memory_space<vmem>>) dst(%dma_wait3A_491 : memref<64x128xf32, #tpu.memory_space<hbm>>)
    return
  }
}

module attributes {stable_mosaic.version = 14 : i64} {
  func.func @_main_body(%arg0: i32, %arg1: memref<8x26x16x128xf32, #tpu.memory_space<vmem>>, %arg2: memref<26x8x64xf32, #tpu.memory_space<vmem>>, %arg3: memref<26x1x1xf32, #tpu.memory_space<vmem>>, %arg4: memref<26x1x1xf32, #tpu.memory_space<vmem>>, %arg5: memref<26x1x1xf32, #tpu.memory_space<vmem>>, %arg6: memref<26x1x1xf32, #tpu.memory_space<vmem>>, %arg7: memref<128x64xf32, #tpu.memory_space<vmem>>, %arg8: memref<1x64xf32, #tpu.memory_space<vmem>>, %arg9: memref<1x64xf32, #tpu.memory_space<vmem>>, %arg10: memref<1x1xf32, #tpu.memory_space<vmem>>, %arg11: memref<8x26x8x64xf32, #tpu.memory_space<vmem>>, %arg12: memref<1x1xf32, #tpu.memory_space<smem>>) attributes {dimension_semantics = [#tpu.dimension_semantics<arbitrary>], iteration_bounds = array<i64: 8>, scalar_prefetch = 0 : i64, scratch_operands = 0 : i64, tpu.core_type = #tpu.core_type<tc>, window_params = [{transform_indices = @transform_0, window_bounds = array<i64: 8, 26, 16, 128>}, {transform_indices = @transform_1, window_bounds = array<i64: 26, 8, 64>}, {transform_indices = @transform_2, window_bounds = array<i64: 26, 1, 1>}, {transform_indices = @transform_3, window_bounds = array<i64: 26, 1, 1>}, {transform_indices = @transform_4, window_bounds = array<i64: 26, 1, 1>}, {transform_indices = @transform_5, window_bounds = array<i64: 26, 1, 1>}, {pipeline_mode = #tpu.pipeline_mode<synchronous>, transform_indices = @transform_6, window_bounds = array<i64: 128, 64>}, {pipeline_mode = #tpu.pipeline_mode<synchronous>, transform_indices = @transform_7, window_bounds = array<i64: 1, 64>}, {pipeline_mode = #tpu.pipeline_mode<synchronous>, transform_indices = @transform_8, window_bounds = array<i64: 1, 64>}, {pipeline_mode = #tpu.pipeline_mode<synchronous>, transform_indices = @transform_9, window_bounds = array<i64: 1, 1>}, {transform_indices = @transform_10, window_bounds = array<i64: 8, 26, 8, 64>}, {transform_indices = @transform_11, window_bounds = array<i64: 1, 1>}]} {
    %get3A = arith.constant 0 : index
    %get3A_0 = arith.constant 0 : index
    %get3A_1 = arith.constant 0 : index
    %get3A_2 = arith.constant 0 : index
    %get3A_3 = vector.load %arg1[%get3A, %get3A_0, %get3A_1, %get3A_2] : memref<8x26x16x128xf32, #tpu.memory_space<vmem>>, vector<8x26x16x64xf32>
    %get3A_4 = arith.constant 0 : index
    %get3A_5 = arith.constant 0 : index
    %get3A_6 = arith.constant 0 : index
    %get3A_7 = arith.constant 64 : index
    %get3A_8 = vector.load %arg1[%get3A_4, %get3A_5, %get3A_6, %get3A_7] : memref<8x26x16x128xf32, #tpu.memory_space<vmem>>, vector<8x26x16x64xf32>
    %reduce_sum3A = arith.constant dense<0.000000e+00> : vector<26xf32>
    %reduce_sum3A_9 = vector.multi_reduction <add>, %get3A_3, %reduce_sum3A [0, 2, 3] : vector<8x26x16x64xf32> to vector<26xf32>
    %broadcast_in_dim3A = vector.shape_cast %reduce_sum3A_9 : vector<26xf32> to vector<1x26x1x1xf32>
    %mul3A = arith.constant 1.22070313E-4 : f32
    %mul3A_10 = vector.broadcast %mul3A : f32 to vector<1x26x1x1xf32>
    %mul3A_11 = arith.mulf %broadcast_in_dim3A, %mul3A_10 : vector<1x26x1x1xf32>
    %mul3A_12 = arith.mulf %get3A_3, %get3A_3 : vector<8x26x16x64xf32>
    %reduce_sum3A_13 = arith.constant dense<0.000000e+00> : vector<26xf32>
    %reduce_sum3A_14 = vector.multi_reduction <add>, %mul3A_12, %reduce_sum3A_13 [0, 2, 3] : vector<8x26x16x64xf32> to vector<26xf32>
    %broadcast_in_dim3A_15 = vector.shape_cast %reduce_sum3A_14 : vector<26xf32> to vector<1x26x1x1xf32>
    %mul3A_16 = arith.constant 1.22070313E-4 : f32
    %mul3A_17 = vector.broadcast %mul3A_16 : f32 to vector<1x26x1x1xf32>
    %mul3A_18 = arith.mulf %broadcast_in_dim3A_15, %mul3A_17 : vector<1x26x1x1xf32>
    %mul3A_19 = arith.mulf %mul3A_11, %mul3A_11 : vector<1x26x1x1xf32>
    %sub3A = arith.subf %mul3A_18, %mul3A_19 : vector<1x26x1x1xf32>
    %get3A_20 = arith.constant 0 : index
    %get3A_21 = arith.constant 0 : index
    %get3A_22 = arith.constant 0 : index
    %get3A_23 = vector.load %arg3[%get3A_20, %get3A_21, %get3A_22] : memref<26x1x1xf32, #tpu.memory_space<vmem>>, vector<26x1x1xf32>
    %broadcast_in_dim3A_24 = vector.shape_cast %get3A_23 : vector<26x1x1xf32> to vector<1x26x1x1xf32>
    %add3A = arith.constant 9.99999974E-6 : f32
    %add3A_25 = vector.broadcast %add3A : f32 to vector<1x26x1x1xf32>
    %add3A_26 = arith.addf %sub3A, %add3A_25 : vector<1x26x1x1xf32>
    %rsqrt3A = math.rsqrt %add3A_26 : vector<1x26x1x1xf32>
    %mul3A_27 = arith.mulf %broadcast_in_dim3A_24, %rsqrt3A : vector<1x26x1x1xf32>
    %get3A_28 = arith.constant 0 : index
    %get3A_29 = arith.constant 0 : index
    %get3A_30 = arith.constant 0 : index
    %get3A_31 = vector.load %arg4[%get3A_28, %get3A_29, %get3A_30] : memref<26x1x1xf32, #tpu.memory_space<vmem>>, vector<26x1x1xf32>
    %broadcast_in_dim3A_32 = vector.shape_cast %get3A_31 : vector<26x1x1xf32> to vector<1x26x1x1xf32>
    %mul3A_33 = arith.mulf %mul3A_27, %mul3A_11 : vector<1x26x1x1xf32>
    %sub3A_34 = arith.subf %broadcast_in_dim3A_32, %mul3A_33 : vector<1x26x1x1xf32>
    %mul3A_35 = vector.broadcast %mul3A_27 : vector<1x26x1x1xf32> to vector<8x26x16x64xf32>
    %mul3A_36 = arith.mulf %mul3A_35, %get3A_3 : vector<8x26x16x64xf32>
    %add3A_37 = vector.broadcast %sub3A_34 : vector<1x26x1x1xf32> to vector<8x26x16x64xf32>
    %add3A_38 = arith.addf %mul3A_36, %add3A_37 : vector<8x26x16x64xf32>
    %reshape3A = vector.shape_cast %add3A_38 : vector<8x26x16x64xf32> to vector<3328x64xf32>
    %get3A_39 = arith.constant 0 : index
    %get3A_40 = arith.constant 0 : index
    %get3A_41 = vector.load %arg7[%get3A_39, %get3A_40] : memref<128x64xf32, #tpu.memory_space<vmem>>, vector<64x64xf32>
    %dot_general3A = arith.constant dense<0.000000e+00> : vector<3328x64xf32>
    %dot_general3A_42 = tpu.matmul %reshape3A, %get3A_41, %dot_general3A {dimension_numbers = #tpu.dot_dimension_numbers<[1], [0], [0], [1], [0, 0, 1, 1], [], []>, transpose_lhs_hint = false} : vector<3328x64xf32>, vector<64x64xf32>, vector<3328x64xf32> -> vector<3328x64xf32>
    %reshape3A_43 = vector.shape_cast %dot_general3A_42 : vector<3328x64xf32> to vector<8x26x16x64xf32>
    %get3A_44 = arith.constant 0 : index
    %get3A_45 = arith.constant 0 : index
    %get3A_46 = arith.constant 0 : index
    %get3A_47 = vector.load %arg2[%get3A_44, %get3A_45, %get3A_46] : memref<26x8x64xf32, #tpu.memory_space<vmem>>, vector<26x8x64xf32>
    %reduce_sum3A_48 = arith.constant dense<0.000000e+00> : vector<26xf32>
    %reduce_sum3A_49 = vector.multi_reduction <add>, %get3A_47, %reduce_sum3A_48 [1, 2] : vector<26x8x64xf32> to vector<26xf32>
    %broadcast_in_dim3A_50 = vector.shape_cast %reduce_sum3A_49 : vector<26xf32> to vector<26x1x1xf32>
    %mul3A_51 = arith.constant 0.001953125 : f32
    %mul3A_52 = vector.broadcast %mul3A_51 : f32 to vector<26x1x1xf32>
    %mul3A_53 = arith.mulf %broadcast_in_dim3A_50, %mul3A_52 : vector<26x1x1xf32>
    %get3A_54 = arith.constant 0 : index
    %get3A_55 = arith.constant 0 : index
    %get3A_56 = arith.constant 0 : index
    %get3A_57 = vector.load %arg2[%get3A_54, %get3A_55, %get3A_56] : memref<26x8x64xf32, #tpu.memory_space<vmem>>, vector<26x8x64xf32>
    %get3A_58 = arith.constant 0 : index
    %get3A_59 = arith.constant 0 : index
    %get3A_60 = arith.constant 0 : index
    %get3A_61 = vector.load %arg2[%get3A_58, %get3A_59, %get3A_60] : memref<26x8x64xf32, #tpu.memory_space<vmem>>, vector<26x8x64xf32>
    %mul3A_62 = arith.mulf %get3A_57, %get3A_61 : vector<26x8x64xf32>
    %reduce_sum3A_63 = arith.constant dense<0.000000e+00> : vector<26xf32>
    %reduce_sum3A_64 = vector.multi_reduction <add>, %mul3A_62, %reduce_sum3A_63 [1, 2] : vector<26x8x64xf32> to vector<26xf32>
    %broadcast_in_dim3A_65 = vector.shape_cast %reduce_sum3A_64 : vector<26xf32> to vector<26x1x1xf32>
    %mul3A_66 = arith.constant 0.001953125 : f32
    %mul3A_67 = vector.broadcast %mul3A_66 : f32 to vector<26x1x1xf32>
    %mul3A_68 = arith.mulf %broadcast_in_dim3A_65, %mul3A_67 : vector<26x1x1xf32>
    %mul3A_69 = arith.mulf %mul3A_53, %mul3A_53 : vector<26x1x1xf32>
    %sub3A_70 = arith.subf %mul3A_68, %mul3A_69 : vector<26x1x1xf32>
    %get3A_71 = arith.constant 0 : index
    %get3A_72 = arith.constant 0 : index
    %get3A_73 = arith.constant 0 : index
    %get3A_74 = vector.load %arg5[%get3A_71, %get3A_72, %get3A_73] : memref<26x1x1xf32, #tpu.memory_space<vmem>>, vector<26x1x1xf32>
    %add3A_75 = arith.constant 9.99999974E-6 : f32
    %add3A_76 = vector.broadcast %add3A_75 : f32 to vector<26x1x1xf32>
    %add3A_77 = arith.addf %sub3A_70, %add3A_76 : vector<26x1x1xf32>
    %rsqrt3A_78 = math.rsqrt %add3A_77 : vector<26x1x1xf32>
    %mul3A_79 = arith.mulf %get3A_74, %rsqrt3A_78 : vector<26x1x1xf32>
    %get3A_80 = arith.constant 0 : index
    %get3A_81 = arith.constant 0 : index
    %get3A_82 = arith.constant 0 : index
    %get3A_83 = vector.load %arg6[%get3A_80, %get3A_81, %get3A_82] : memref<26x1x1xf32, #tpu.memory_space<vmem>>, vector<26x1x1xf32>
    %mul3A_84 = arith.mulf %mul3A_79, %mul3A_53 : vector<26x1x1xf32>
    %sub3A_85 = arith.subf %get3A_83, %mul3A_84 : vector<26x1x1xf32>
    %get3A_86 = arith.constant 0 : index
    %get3A_87 = arith.constant 0 : index
    %get3A_88 = arith.constant 0 : index
    %get3A_89 = vector.load %arg2[%get3A_86, %get3A_87, %get3A_88] : memref<26x8x64xf32, #tpu.memory_space<vmem>>, vector<26x8x64xf32>
    %mul3A_90 = vector.broadcast %mul3A_79 : vector<26x1x1xf32> to vector<26x8x64xf32>
    %mul3A_91 = arith.mulf %mul3A_90, %get3A_89 : vector<26x8x64xf32>
    %add3A_92 = vector.broadcast %sub3A_85 : vector<26x1x1xf32> to vector<26x8x64xf32>
    %add3A_93 = arith.addf %mul3A_91, %add3A_92 : vector<26x8x64xf32>
    %reshape3A_94 = vector.shape_cast %add3A_93 : vector<26x8x64xf32> to vector<208x64xf32>
    %get3A_95 = arith.constant 64 : index
    %get3A_96 = arith.constant 0 : index
    %get3A_97 = vector.load %arg7[%get3A_95, %get3A_96] : memref<128x64xf32, #tpu.memory_space<vmem>>, vector<64x64xf32>
    %dot_general3A_98 = arith.constant dense<0.000000e+00> : vector<208x64xf32>
    %dot_general3A_99 = tpu.matmul %reshape3A_94, %get3A_97, %dot_general3A_98 {dimension_numbers = #tpu.dot_dimension_numbers<[1], [0], [0], [1], [0, 0, 1, 1], [], []>, transpose_lhs_hint = false} : vector<208x64xf32>, vector<64x64xf32>, vector<208x64xf32> -> vector<208x64xf32>
    %reshape3A_100 = vector.shape_cast %dot_general3A_99 : vector<208x64xf32> to vector<26x8x64xf32>
    %get3A_101 = arith.constant 0 : index
    %get3A_102 = arith.constant 0 : index
    %get3A_103 = vector.load %arg8[%get3A_101, %get3A_102] : memref<1x64xf32, #tpu.memory_space<vmem>>, vector<1x64xf32>
    %broadcast_in_dim3A_104 = vector.shape_cast %get3A_103 : vector<1x64xf32> to vector<1x1x64xf32>
    %add3A_105 = vector.broadcast %broadcast_in_dim3A_104 : vector<1x1x64xf32> to vector<26x8x64xf32>
    %add3A_106 = arith.addf %reshape3A_100, %add3A_105 : vector<26x8x64xf32>
    %broadcast_in_dim3A_107 = vector.shape_cast %reshape3A_43 : vector<8x26x16x64xf32> to vector<8x26x16x1x64xf32>
    %broadcast_in_dim3A_108 = vector.shape_cast %add3A_106 : vector<26x8x64xf32> to vector<1x26x1x8x64xf32>
    %add3A_109 = vector.broadcast %broadcast_in_dim3A_107 : vector<8x26x16x1x64xf32> to vector<8x26x16x8x64xf32>
    %add3A_110 = vector.broadcast %broadcast_in_dim3A_108 : vector<1x26x1x8x64xf32> to vector<8x26x16x8x64xf32>
    %add3A_111 = arith.addf %add3A_109, %add3A_110 : vector<8x26x16x8x64xf32>
    %max3A = arith.constant 0.000000e+00 : f32
    %max3A_112 = vector.broadcast %max3A : f32 to vector<8x26x16x8x64xf32>
    %max3A_113 = arith.maximumf %add3A_111, %max3A_112 : vector<8x26x16x8x64xf32>
    %get3A_114 = arith.constant 0 : index
    %get3A_115 = arith.constant 0 : index
    %get3A_116 = vector.load %arg9[%get3A_114, %get3A_115] : memref<1x64xf32, #tpu.memory_space<vmem>>, vector<1x64xf32>
    %broadcast_in_dim3A_117 = vector.shape_cast %get3A_116 : vector<1x64xf32> to vector<1x1x1x1x64xf32>
    %mul3A_118 = vector.broadcast %broadcast_in_dim3A_117 : vector<1x1x1x1x64xf32> to vector<8x26x16x8x64xf32>
    %mul3A_119 = arith.mulf %max3A_113, %mul3A_118 : vector<8x26x16x8x64xf32>
    %reduce_sum3A_120 = arith.constant dense<0.000000e+00> : vector<8x26x16x8xf32>
    %reduce_sum3A_121 = vector.multi_reduction <add>, %mul3A_119, %reduce_sum3A_120 [4] : vector<8x26x16x8x64xf32> to vector<8x26x16x8xf32>
    %get3A_122 = arith.constant 0 : index
    %get3A_123 = arith.constant 0 : index
    %get3A_124 = vector.load %arg10[%get3A_122, %get3A_123] : memref<1x1xf32, #tpu.memory_space<vmem>>, vector<1x1xf32>
    %get3A_125 = vector.extract %get3A_124[0, 0] : f32 from vector<1x1xf32>
    %neg3A = arith.constant 0.000000e+00 : f32
    %neg3A_126 = arith.subf %neg3A, %get3A_125 : f32
    %max3A_127 = vector.broadcast %neg3A_126 : f32 to vector<8x26x16x8xf32>
    %max3A_128 = arith.maximumf %reduce_sum3A_121, %max3A_127 : vector<8x26x16x8xf32>
    %exp3A = math.exp %max3A_128 : vector<8x26x16x8xf32>
    %reduce_sum3A_129 = arith.constant dense<0.000000e+00> : vector<8x26x16xf32>
    %reduce_sum3A_130 = vector.multi_reduction <add>, %exp3A, %reduce_sum3A_129 [3] : vector<8x26x16x8xf32> to vector<8x26x16xf32>
    %broadcast_in_dim3A_131 = vector.shape_cast %reduce_sum3A_130 : vector<8x26x16xf32> to vector<8x26x16x1xf32>
    %div3A = arith.constant 6.250000e-02 : f32
    %div3A_132 = vector.broadcast %div3A : f32 to vector<8x26x16x1xf32>
    %div3A_133 = arith.divf %div3A_132, %broadcast_in_dim3A_131 : vector<8x26x16x1xf32>
    %mul3A_134 = vector.broadcast %div3A_133 : vector<8x26x16x1xf32> to vector<8x26x16x64xf32>
    %mul3A_135 = arith.mulf %get3A_8, %mul3A_134 : vector<8x26x16x64xf32>
    %broadcast_in_dim3A_136 = vector.shape_cast %exp3A : vector<8x26x16x8xf32> to vector<8x26x16x8x1xf32>
    %broadcast_in_dim3A_137 = vector.shape_cast %mul3A_135 : vector<8x26x16x64xf32> to vector<8x26x16x1x64xf32>
    %mul3A_138 = vector.broadcast %broadcast_in_dim3A_136 : vector<8x26x16x8x1xf32> to vector<8x26x16x8x64xf32>
    %mul3A_139 = vector.broadcast %broadcast_in_dim3A_137 : vector<8x26x16x1x64xf32> to vector<8x26x16x8x64xf32>
    %mul3A_140 = arith.mulf %mul3A_138, %mul3A_139 : vector<8x26x16x8x64xf32>
    %reduce_sum3A_141 = arith.constant dense<0.000000e+00> : vector<8x26x8x64xf32>
    %reduce_sum3A_142 = vector.multi_reduction <add>, %mul3A_140, %reduce_sum3A_141 [2] : vector<8x26x16x8x64xf32> to vector<8x26x8x64xf32>
    %swap3A = arith.constant 0 : index
    %swap3A_143 = arith.constant 0 : index
    %swap3A_144 = arith.constant 0 : index
    %swap3A_145 = arith.constant 0 : index
    %swap3A_146 = vector.load %arg11[%swap3A, %swap3A_143, %swap3A_144, %swap3A_145] : memref<8x26x8x64xf32, #tpu.memory_space<vmem>>, vector<8x26x8x64xf32>
    tpu.vector_store %arg11[%swap3A, %swap3A_143, %swap3A_144, %swap3A_145], %reduce_sum3A_142 {strides = array<i32>} : memref<8x26x8x64xf32, #tpu.memory_space<vmem>>, vector<8x26x8x64xf32>,
    %reduce_sum3A_147 = arith.constant dense<0.000000e+00> : vector<26x8x64xf32>
    %reduce_sum3A_148 = vector.multi_reduction <add>, %reduce_sum3A_142, %reduce_sum3A_147 [0] : vector<8x26x8x64xf32> to vector<26x8x64xf32>
    %mul3A_149 = arith.constant 1.250000e-01 : f32
    %mul3A_150 = vector.broadcast %mul3A_149 : f32 to vector<26x8x64xf32>
    %mul3A_151 = arith.mulf %reduce_sum3A_148, %mul3A_150 : vector<26x8x64xf32>
    %get3A_152 = arith.constant 0 : index
    %get3A_153 = arith.constant 0 : index
    %get3A_154 = arith.constant 0 : index
    %get3A_155 = vector.load %arg2[%get3A_152, %get3A_153, %get3A_154] : memref<26x8x64xf32, #tpu.memory_space<vmem>>, vector<26x8x64xf32>
    %mul3A_156 = arith.constant 9.900000e-01 : f32
    %mul3A_157 = vector.broadcast %mul3A_156 : f32 to vector<26x8x64xf32>
    %mul3A_158 = arith.mulf %mul3A_157, %get3A_155 : vector<26x8x64xf32>
    %mul3A_159 = arith.constant 0.00999999977 : f32
    %mul3A_160 = vector.broadcast %mul3A_159 : f32 to vector<26x8x64xf32>
    %mul3A_161 = arith.mulf %mul3A_160, %mul3A_151 : vector<26x8x64xf32>
    %add3A_162 = arith.addf %mul3A_158, %mul3A_161 : vector<26x8x64xf32>
    %reduce_sum3A_163 = arith.constant dense<0.000000e+00> : vector<26x64xf32>
    %reduce_sum3A_164 = vector.multi_reduction <add>, %add3A_162, %reduce_sum3A_163 [1] : vector<26x8x64xf32> to vector<26x64xf32>
    %broadcast_in_dim3A_165 = vector.shape_cast %reduce_sum3A_164 : vector<26x64xf32> to vector<26x1x64xf32>
    %mul3A_166 = arith.constant 1.250000e-01 : f32
    %mul3A_167 = vector.broadcast %mul3A_166 : f32 to vector<26x1x64xf32>
    %mul3A_168 = arith.mulf %broadcast_in_dim3A_165, %mul3A_167 : vector<26x1x64xf32>
    %sub3A_169 = vector.broadcast %mul3A_168 : vector<26x1x64xf32> to vector<26x8x64xf32>
    %sub3A_170 = arith.subf %add3A_162, %sub3A_169 : vector<26x8x64xf32>
    %broadcast_in_dim3A_171 = vector.shape_cast %sub3A_170 : vector<26x8x64xf32> to vector<26x8x1x64xf32>
    %broadcast_in_dim3A_172 = vector.shape_cast %sub3A_170 : vector<26x8x64xf32> to vector<26x1x8x64xf32>
    %mul3A_173 = vector.broadcast %broadcast_in_dim3A_171 : vector<26x8x1x64xf32> to vector<26x8x8x64xf32>
    %mul3A_174 = vector.broadcast %broadcast_in_dim3A_172 : vector<26x1x8x64xf32> to vector<26x8x8x64xf32>
    %mul3A_175 = arith.mulf %mul3A_173, %mul3A_174 : vector<26x8x8x64xf32>
    %reduce_sum3A_176 = arith.constant dense<0.000000e+00> : vector<26x8x8xf32>
    %reduce_sum3A_177 = vector.multi_reduction <add>, %mul3A_175, %reduce_sum3A_176 [3] : vector<26x8x8x64xf32> to vector<26x8x8xf32>
    %mul3A_178 = arith.mulf %sub3A_170, %sub3A_170 : vector<26x8x64xf32>
    %reduce_sum3A_179 = arith.constant dense<0.000000e+00> : vector<26x8xf32>
    %reduce_sum3A_180 = vector.multi_reduction <add>, %mul3A_178, %reduce_sum3A_179 [2] : vector<26x8x64xf32> to vector<26x8xf32>
    %mul3A_181 = arith.constant -2.000000e+00 : f32
    %mul3A_182 = vector.broadcast %mul3A_181 : f32 to vector<26x8x8xf32>
    %mul3A_183 = arith.mulf %mul3A_182, %reduce_sum3A_177 : vector<26x8x8xf32>
    %broadcast_in_dim3A_184 = vector.shape_cast %reduce_sum3A_180 : vector<26x8xf32> to vector<26x8x1xf32>
    %add3A_185 = vector.broadcast %broadcast_in_dim3A_184 : vector<26x8x1xf32> to vector<26x8x8xf32>
    %add3A_186 = arith.addf %mul3A_183, %add3A_185 : vector<26x8x8xf32>
    %broadcast_in_dim3A_187 = vector.shape_cast %reduce_sum3A_180 : vector<26x8xf32> to vector<26x1x8xf32>
    %add3A_188 = vector.broadcast %broadcast_in_dim3A_187 : vector<26x1x8xf32> to vector<26x8x8xf32>
    %add3A_189 = arith.addf %add3A_186, %add3A_188 : vector<26x8x8xf32>
    %max3A_190 = arith.constant 1.000000e-30 : f32
    %max3A_191 = vector.broadcast %max3A_190 : f32 to vector<26x8x8xf32>
    %max3A_192 = arith.maximumf %add3A_189, %max3A_191 : vector<26x8x8xf32>
    %sqrt3A = math.sqrt %max3A_192 : vector<26x8x8xf32>
    %iota3A = tpu.iota {dimensions = array<i32: 0>} : vector<8x8xi32>
    %iota3A_193 = tpu.iota {dimensions = array<i32: 1>} : vector<8x8xi32>
    %eq3A = arith.cmpi eq, %iota3A, %iota3A_193 : vector<8x8xi32>
    %jit3A = arith.constant 0.000000e+00 : f32
    %jit3A_194 = arith.constant 5.000000e-01 : f32
    %broadcast_in_dim3A_195 = vector.broadcast %jit3A : f32 to vector<8x8xf32>
    %broadcast_in_dim3A_196 = vector.broadcast %jit3A_194 : f32 to vector<8x8xf32>
    %select_n3A = arith.select %eq3A, %broadcast_in_dim3A_195, %broadcast_in_dim3A_196 : vector<8x8xi1>, vector<8x8xf32>
    %broadcast_in_dim3A_197 = vector.shape_cast %select_n3A : vector<8x8xf32> to vector<1x8x8xf32>
    %sub3A_198 = vector.broadcast %broadcast_in_dim3A_197 : vector<1x8x8xf32> to vector<26x8x8xf32>
    %sub3A_199 = arith.subf %sub3A_198, %sqrt3A : vector<26x8x8xf32>
    %max3A_200 = arith.constant 0.000000e+00 : f32
    %max3A_201 = vector.broadcast %max3A_200 : f32 to vector<26x8x8xf32>
    %max3A_202 = arith.maximumf %sub3A_199, %max3A_201 : vector<26x8x8xf32>
    %integer_pow3A = arith.mulf %max3A_202, %max3A_202 : vector<26x8x8xf32>
    %iota3A_203 = tpu.iota {dimensions = array<i32: 0>} : vector<26x1x1xi32>
    %mul3A_204 = arith.constant 26 : i32
    %mul3A_205 = arith.muli %arg0, %mul3A_204 : i32
    %add3A_206 = vector.broadcast %mul3A_205 : i32 to vector<26x1x1xi32>
    %add3A_207 = arith.addi %iota3A_203, %add3A_206 : vector<26x1x1xi32>
    %lt3A = arith.constant 207 : i32
    %lt3A_208 = vector.broadcast %lt3A : i32 to vector<26x1x1xi32>
    %lt3A_209 = arith.cmpi slt, %add3A_207, %lt3A_208 : vector<26x1x1xi32>
    %jit3A_210 = arith.constant 1.000000e+00 : f32
    %jit3A_211 = arith.constant 0.000000e+00 : f32
    %broadcast_in_dim3A_212 = vector.broadcast %jit3A_210 : f32 to vector<26x1x1xf32>
    %broadcast_in_dim3A_213 = vector.broadcast %jit3A_211 : f32 to vector<26x1x1xf32>
    %select_n3A_214 = arith.select %lt3A_209, %broadcast_in_dim3A_212, %broadcast_in_dim3A_213 : vector<26x1x1xi1>, vector<26x1x1xf32>
    %mul3A_215 = vector.broadcast %select_n3A_214 : vector<26x1x1xf32> to vector<26x8x8xf32>
    %mul3A_216 = arith.mulf %integer_pow3A, %mul3A_215 : vector<26x8x8xf32>
    %reduce_sum3A_217 = vector.shape_cast %mul3A_216 : vector<26x8x8xf32> to vector<1x26x8x8xf32>
    %reduce_sum3A_218 = arith.constant dense<0.000000e+00> : vector<1xf32>
    %reduce_sum3A_219 = vector.multi_reduction <add>, %reduce_sum3A_217, %reduce_sum3A_218 [1, 2, 3] : vector<1x26x8x8xf32> to vector<1xf32>
    %reduce_sum3A_220 = vector.shape_cast %reduce_sum3A_219 : vector<1xf32> to vector<1x1x1x1xf32>
    %reduce_sum3A_221 = vector.extract %reduce_sum3A_220[0, 0, 0, 0] : f32 from vector<1x1x1x1xf32>
    %mul3A_222 = arith.constant 0.00483091781 : f32
    %mul3A_223 = arith.mulf %reduce_sum3A_221, %mul3A_222 : f32
    %eq3A_224 = arith.constant 0 : i32
    %eq3A_225 = arith.cmpi eq, %arg0, %eq3A_224 : i32
    %convert_element_type3A = arith.extui %eq3A_225 : i1 to i32
    %cond3A = arith.constant 0 : i32
    %cond3A_226 = arith.cmpi ne, %convert_element_type3A, %cond3A : i32
    scf.if %cond3A_226 {
      %swap3A_231 = arith.constant 0 : index
      %swap3A_232 = arith.constant 0 : index
      %swap3A_233 = memref.load %arg12[%swap3A_231, %swap3A_232] : memref<1x1xf32, #tpu.memory_space<smem>>
      memref.store %mul3A_223, %arg12[%swap3A_231, %swap3A_232] : memref<1x1xf32, #tpu.memory_space<smem>>
    } else {
    }
    %gt3A = arith.constant 0 : i32
    %gt3A_227 = arith.cmpi sgt, %arg0, %gt3A : i32
    %convert_element_type3A_228 = arith.extui %gt3A_227 : i1 to i32
    %cond3A_229 = arith.constant 0 : i32
    %cond3A_230 = arith.cmpi ne, %convert_element_type3A_228, %cond3A_229 : i32
    scf.if %cond3A_230 {
      %get3A_231 = arith.constant 0 : index
      %get3A_232 = arith.constant 0 : index
      %get3A_233 = memref.load %arg12[%get3A_231, %get3A_232] : memref<1x1xf32, #tpu.memory_space<smem>>
      %add3A_234 = arith.addf %get3A_233, %mul3A_223 : f32
      %swap3A_235 = arith.constant 0 : index
      %swap3A_236 = arith.constant 0 : index
      %swap3A_237 = memref.load %arg12[%swap3A_235, %swap3A_236] : memref<1x1xf32, #tpu.memory_space<smem>>
      memref.store %add3A_234, %arg12[%swap3A_235, %swap3A_236] : memref<1x1xf32, #tpu.memory_space<smem>>
    } else {
    }
    return
  }
  func.func @transform_0(%arg0: i32) -> (i32, i32, i32, i32) {
    %c0_i32 = arith.constant 0 : i32
    %c0_i32_0 = arith.constant 0 : i32
    %c0_i32_1 = arith.constant 0 : i32
    %c0_i32_2 = arith.constant 0 : i32
    return %c0_i32, %arg0, %c0_i32_0, %c0_i32_1 : i32, i32, i32, i32
  }
  func.func @transform_1(%arg0: i32) -> (i32, i32, i32) {
    %c0_i32 = arith.constant 0 : i32
    %c0_i32_0 = arith.constant 0 : i32
    %c0_i32_1 = arith.constant 0 : i32
    return %arg0, %c0_i32, %c0_i32_0 : i32, i32, i32
  }
  func.func @transform_2(%arg0: i32) -> (i32, i32, i32) {
    %c0_i32 = arith.constant 0 : i32
    %c0_i32_0 = arith.constant 0 : i32
    %c0_i32_1 = arith.constant 0 : i32
    return %arg0, %c0_i32, %c0_i32_0 : i32, i32, i32
  }
  func.func @transform_3(%arg0: i32) -> (i32, i32, i32) {
    %c0_i32 = arith.constant 0 : i32
    %c0_i32_0 = arith.constant 0 : i32
    %c0_i32_1 = arith.constant 0 : i32
    return %arg0, %c0_i32, %c0_i32_0 : i32, i32, i32
  }
  func.func @transform_4(%arg0: i32) -> (i32, i32, i32) {
    %c0_i32 = arith.constant 0 : i32
    %c0_i32_0 = arith.constant 0 : i32
    %c0_i32_1 = arith.constant 0 : i32
    return %arg0, %c0_i32, %c0_i32_0 : i32, i32, i32
  }
  func.func @transform_5(%arg0: i32) -> (i32, i32, i32) {
    %c0_i32 = arith.constant 0 : i32
    %c0_i32_0 = arith.constant 0 : i32
    %c0_i32_1 = arith.constant 0 : i32
    return %arg0, %c0_i32, %c0_i32_0 : i32, i32, i32
  }
  func.func @transform_6(%arg0: i32) -> (i32, i32) {
    %c0_i32 = arith.constant 0 : i32
    %c0_i32_0 = arith.constant 0 : i32
    %c0_i32_1 = arith.constant 0 : i32
    return %c0_i32, %c0_i32_0 : i32, i32
  }
  func.func @transform_7(%arg0: i32) -> (i32, i32) {
    %c0_i32 = arith.constant 0 : i32
    %c0_i32_0 = arith.constant 0 : i32
    %c0_i32_1 = arith.constant 0 : i32
    return %c0_i32, %c0_i32_0 : i32, i32
  }
  func.func @transform_8(%arg0: i32) -> (i32, i32) {
    %c0_i32 = arith.constant 0 : i32
    %c0_i32_0 = arith.constant 0 : i32
    %c0_i32_1 = arith.constant 0 : i32
    return %c0_i32, %c0_i32_0 : i32, i32
  }
  func.func @transform_9(%arg0: i32) -> (i32, i32) {
    %c0_i32 = arith.constant 0 : i32
    %c0_i32_0 = arith.constant 0 : i32
    %c0_i32_1 = arith.constant 0 : i32
    return %c0_i32, %c0_i32_0 : i32, i32
  }
  func.func @transform_10(%arg0: i32) -> (i32, i32, i32, i32) {
    %c0_i32 = arith.constant 0 : i32
    %c0_i32_0 = arith.constant 0 : i32
    %c0_i32_1 = arith.constant 0 : i32
    %c0_i32_2 = arith.constant 0 : i32
    return %c0_i32, %arg0, %c0_i32_0, %c0_i32_1 : i32, i32, i32, i32
  }
  func.func @transform_11(%arg0: i32) -> (i32, i32) {
    %c0_i32 = arith.constant 0 : i32
    %c0_i32_0 = arith.constant 0 : i32
    %c0_i32_1 = arith.constant 0 : i32
    return %c0_i32, %c0_i32_0 : i32, i32
  }
}

</mosaic_0001>

<sc_bundles>
// kernel: kernel.4.cloned.1.call-start
scs
__scs_entry_jumppad:
0x0: {  	(pc) =	sbr.rel $0x88, $3  }
0x1: {  	(tag) =	ssettag $0x0;
	lr =	simm.s32 $0x1  }
0x2: {  	[smem:$0x3F95] =	sst lr;
	_ =	strace $0xD0000000  }
0x3: {  	_ = 	snop  }
0x4: {  	_ = 	snop  }
0x5: {  	_ = 	snop  }
0x6: {  	_ = 	snop  }
0x7: {  	_ = 	snop  }
__scs_overlays_trampoline_lowered:
0x8: {  	[smem:$0x3FA4] =	sst s0  }
0x9: {  	[smem:$0x3FA5] =	sst s1  }
0xa: {  	[smem:$0x3FA6] =	sst s2  }
0xb: {  	[smem:$0x3FA7] =	sst s3  }
0xc: {  	[smem:$0x3FA8] =	sst s4  }
0xd: {  	[smem:$0x3FA9] =	sst s5  }
0xe: {  	[smem:$0x3FAA] =	sst s6  }
0xf: {  	[smem:$0x3FAB] =	sst s7  }
0x10: {  	[smem:$0x3FAC] =	sst s8  }
0x11: {  	[smem:$0x3FAD] =	sst s9;
	s0 =	simm.s32 @!p0 $0x0  }
0x12: {  	s1 =	sld [smem:$0x3F93];
	s0 =	simm.s32 @p0 $0x1  }
0x13: {  	[smem:$0x3FAE] =	sst s0;
	s0 =	simm.s32 @!p1 $0x0  }
0x14: {  	s2 =	sld [smem:$0x3F92];
	s0 =	simm.s32 @p1 $0x1  }
0x15: {  	[smem:$0x3FAF] =	sst s0;
	s0 =	simm.s32 @!p2 $0x0  }
0x16: {  	s3 =	sld [smem:$0x3FDB];
	s0 =	simm.s32 @p2 $0x1  }
0x17: {  	s4 =	simm.s32 $0x1BF5;
	[smem:$0x3FB1] =	sst s0  }
0x18: {  	s0 =	sld [smem:$0x3F94];
	_ =	swait.ge [sflag:s4], $0x0  }
0x19: {  	s7 =	sld [smem:$0x3F95]  }
0x1a: {  	s8 =	sadd.s32 $0xFFFFE003, lr  }
0x1b: {  	s9 =	sadd.s32 $0xFFFFFEF7, lr;
	s5 =	simm.s32 $0xFFFFFFFF;
	p2 =	slt.u32 s8, $0xFFFFF086  }
0x1c: {  	p1 =	slt.u32 s9, $0xF7A;
	s5 =	simm.s32 @!p2 $0x0  }
0x1d: {  	s5 =	simm.s32 @p1 $0x1;
	p0 =	seq.s32 s7, s2  }
0x1e: {  	s7 =	smul.u32 @!p0 $0xF7A, s2;
	p2 =	seq.s32 @!p0 s5, $0x0  }
0x1f: {  	s9 =	smul.u32 $0xF7A, s1;
	s8 =	simm.s32 @!p0 $0x1BF5;
	p2 =	por !p2, p0  }
0x20: {  	[sflag:s8] =	ssyncset.s32 @!p0 $0xFFFFF086;
	s6 =	sadd.s32 @!p0 s3, s7;
	s7 =	simm.s32 @!p0 $0x108  }
0x21: {  	s3 =	sadd.s32 s3, s9;
	s6 =	sadd.s32 @!p0 $0x88, s6;
	s7 =	simm.s32 @p2 $0x1082  }
0x22: {  	[simem:s7], [sflag:s8] =	dma.local @!p0 [hbm:s6], $0xF7A  }
0x23: {  	s9 =	sor.u32 $0xD0000000, s2;
	s6 =	simm.s32 $0x108;
	_ =	swait.ge @!p0 [sflag:s8], $0x0  }
0x24: {  	s3 =	sadd.s32 $0x88, s3;
	s6 =	simm.s32 @!p1 $0x1082;
	[sflag:s4] =	ssyncset.s32 $0xFFFFF086  }
0x25: {  	[simem:s6], [sflag:s4] =	dma.local [hbm:s3], $0xF7A  }
0x26: {  	[smem:$0x3F95] =	sst s1;
	(tag) =	ssettag s2;
	_ =	strace s9  }
0x27: {  	s1 =	sld [smem:$0x3FA5]  }
0x28: {  	s2 =	sld [smem:$0x3FA6]  }
0x29: {  	s4 =	sld [smem:$0x3FA8]  }
0x2a: {  	p0 =	seq.s32 s5, $0x0;
	s5 =	sld [smem:$0x3FA9]  }
0x2b: {  	s6 =	sld [smem:$0x3FAA]  }
0x2c: {  	s7 =	sld [smem:$0x3FAB]  }
0x2d: {  	s3 =	simm.s32 $0x108;
	s8 =	sld [smem:$0x3FAC]  }
0x2e: {  	s3 =	simm.s32 @!p0 $0x1082;
	s9 =	sld [smem:$0x3FAD]  }
0x2f: {  	lr =	sadd.s32 s0, s3;
	s0 =	sld [smem:$0x3FA4]  }
0x30: {  	s3 =	sld [smem:$0x3FA7]  }
0x31: {  	[smem:$0x3FB0] =	sst s10  }
0x32: {  	s10 =	sld [smem:$0x3FAE];
	_ =	sdelay $0x3  }
0x33: {  	p0 =	seq.s32 s10, $0x1;
	s10 =	sld [smem:$0x3FB0];
	_ =	sdelay $0x3  }
0x34: {  	[smem:$0x3FB0] =	sst s10  }
0x35: {  	s10 =	sld [smem:$0x3FAF];
	_ =	sdelay $0x3  }
0x36: {  	p1 =	seq.s32 s10, $0x1;
	s10 =	sld [smem:$0x3FB0];
	_ =	sdelay $0x3  }
0x37: {  	[smem:$0x3FB0] =	sst s10  }
0x38: {  	s10 =	sld [smem:$0x3FB1]  }
0x39: {  	_ = 	snop;
	(pc) =	sbr.ind lr, $3  }
0x3a: {  	_ = 	snop  }
0x3b: {  	_ = 	snop  }
0x3c: {  	p2 =	seq.s32 s10, $0x1;
	s10 =	sld [smem:$0x3FB0]  }
0x3d: {  	_ =	shalt  }
0x3e: {  	_ =	shalt  }
0x3f: {  	_ =	shalt  }
0x40: {  	_ =	shalt  }
0x41: {  	_ =	shalt  }
0x42: {  	_ =	shalt  }
0x43: {  	_ =	shalt  }
0x44: {  	_ =	shalt  }
0x45: {  	_ =	shalt  }
0x46: {  	_ =	shalt  }
0x47: {  	_ =	shalt  }
0x48: {  	_ =	shalt  }
0x49: {  	_ =	shalt  }
0x4a: {  	_ =	shalt  }
0x4b: {  	_ =	shalt  }
0x4c: {  	_ =	shalt  }
0x4d: {  	_ =	shalt  }
0x4e: {  	_ =	shalt  }
0x4f: {  	_ =	shalt  }
0x50: {  	_ =	shalt  }
0x51: {  	_ =	shalt  }
0x52: {  	_ =	shalt  }
0x53: {  	_ =	shalt  }
0x54: {  	_ =	shalt  }
0x55: {  	_ =	shalt  }
0x56: {  	_ =	shalt  }
0x57: {  	_ =	shalt  }
0x58: {  	_ =	shalt  }
0x59: {  	_ =	shalt  }
0x5a: {  	_ =	shalt  }
0x5b: {  	_ =	shalt  }
0x5c: {  	_ =	shalt  }
0x5d: {  	_ =	shalt  }
0x5e: {  	_ =	shalt  }
0x5f: {  	_ =	shalt  }
0x60: {  	_ =	shalt  }
0x61: {  	_ =	shalt  }
0x62: {  	_ =	shalt  }
0x63: {  	_ =	shalt  }
0x64: {  	_ =	shalt  }
0x65: {  	_ =	shalt  }
0x66: {  	_ =	shalt  }
0x67: {  	_ =	shalt  }
0x68: {  	_ =	shalt  }
0x69: {  	_ =	shalt  }
0x6a: {  	_ =	shalt  }
0x6b: {  	_ =	shalt  }
0x6c: {  	_ =	shalt  }
0x6d: {  	_ =	shalt  }
0x6e: {  	_ =	shalt  }
0x6f: {  	_ =	shalt  }
0x70: {  	_ =	shalt  }
0x71: {  	_ =	shalt  }
0x72: {  	_ =	shalt  }
0x73: {  	_ =	shalt  }
0x74: {  	_ =	shalt  }
0x75: {  	_ =	shalt  }
0x76: {  	_ =	shalt  }
0x77: {  	_ =	shalt  }
0x78: {  	_ =	shalt  }
0x79: {  	_ =	shalt  }
0x7a: {  	_ =	shalt  }
0x7b: {  	_ =	shalt  }
0x7c: {  	_ =	shalt  }
0x7d: {  	_ =	shalt  }
0x7e: {  	_ =	shalt  }
0x7f: {  	_ =	shalt  }
0x80: {  	_ =	shalt  }
0x81: {  	_ =	shalt  }
0x82: {  	_ =	shalt  }
0x83: {  	_ =	shalt  }
0x84: {  	_ =	shalt  }
0x85: {  	_ =	shalt  }
0x86: {  	_ =	shalt  }
0x87: {  	_ =	shalt  }
.Lfunc_end0:
.L_simem_size_0:
called_computation_lowered:
.L_overlay_start_0:
0x88: {  	s2 =	sld [smem:$0x3FD9]  }
0x89: {  	s3 =	sld [smem:$0x3FFE];
	_ =	sdelay $0x1  }
0x8a: {  	s1 =	srdreg.scid  }
0x8b: {  	s0 =	sand.u32 $0x1, s1  }
0x8c: {  	s14 =	sshll.u32 s0, $0xA;
	s2 =	sadd.s32 s3, s2  }
0x8d: {  	s2 =	sadd.s32 s2, s14  }
0x8e: {  	[smem:$0x3FBC] =	sst s2  }
0x8f: {  	_ = 	snop  }
0x90: {  	s2 =	sld [smem:$0x3FD0];
	_ =	sdelay $0x2  }
0x91: {  	s15 =	simm.s32 $0xA;
	s4 =	simm.s32 $0x10  }
0x92: {  	[smem:s4], [sflag:s15] =	dma.local [hbm:s2], $0x1  }
0x93: {  	_ =	swait.eq [sflag:s15], $0x1  }
0x94: {  	[sflag:s15] =	ssyncset.done $0x0  }
0x95: {  	[sflag:s15] =	ssyncadd.s32 $0xFFFFFFFF  }
0x96: {  	s16 =	sld [smem:$0x10];
	(tm) =	ssettm $0x1  }
0x97: {  	s17 =	sld [smem:$0x3FFB];
	_ =	sdelay $0x3  }
0x98: {  	_ =	strace s17  }
0x99: {  	s3 =	sld [smem:$0x3FFC];
	_ =	sdelay $0x3  }
0x9a: {  	_ =	strace s3  }
0x9b: {  	s3 =	sld [smem:$0x3FFD];
	_ =	sdelay $0x3  }
0x9c: {  	_ =	strace s3  }
0x9d: {  	_ =	strace $0x8FFFFFFF  }
0x9e: {  	s18 =	sld [smem:$0x3FDB];
	_ =	sdelay $0x1  }
0x9f: {  	s19 =	simm.s32 $_scs_section_size  }
0xa0: {  	s5 =	simm.s32 $_size__tile_overlayer_lowered;
	s6 =	simm.s32 $_tile_overlayer_lowered  }
0xa1: {  	s22 =	simm.s32 $0x1BFF;
	s21 =	sshll.u32 s6, $0x1;
	s3 =	sadd.s32 s19, s18  }
0xa2: {  	s7 =	simm.s32 $0x0;
	s20 =	sshll.u32 s5, $0x1;
	s5 =	sadd.s32 s21, s3  }
0xa3: {  	[timem:s7], [sflag:s22] =	dma.local [hbm:s5], s20  }
0xa4: {  	_ =	swait.ge [sflag:s22], s20  }
0xa5: {  	s4 =	ssub.s32 $0x0, s20;
	[sflag:s22] =	ssyncset.done $0x0  }
0xa6: {  	[sflag:s22] =	ssyncadd.s32 s4;
	_ =	sdelay $0x1  }
0xa7: {  	s23 =	simm.s32 $0x1B8B  }
0xa8: {  	_ =	swait.ge [sflag:s23], $0x1  }
0xa9: {  	[sflag:s23] =	ssyncset.done $0x0  }
0xaa: {  	s25 =	simm.s32 $0x1B8E;
	s24 =	sld [smem:$0x3FFE];
	[sflag:s23] =	ssyncadd.s32 $0xFFFFFFFF  }
0xab: {  	s26 =	simm.s32 $execute0_lowered;
	[smem:$0x3FD2] =	sst s25  }
0xac: {  	s5 =	sshll.u32 s26, $0x1;
	_ =	strace $0x80000046;
	[dreg:$0x1] =	wrdreg $0xFFFFFFFF  }
0xad: {  	s28 =	simm.s32 $_size_execute0_lowered;
	s3 =	sadd.s32 s3, s5;
	[dreg:$0x0] =	wrdreg $0x0  }
0xae: {  	s5 =	sshll.u32 s28, $0x1;
	[dreg:$0x2] =	wrdreg s3  }
0xaf: {  	[dreg:$0x3] =	wrdreg s5  }
0xb0: {  	[dreg:$0x4] =	wrdreg $0xC0  }
0xb1: {  	_ =	task [dreg:s7], $0x5FFFF  }
0xb2: {  	[dreg:$0x1] =	wrdreg $0xFFFFFFFF  }
0xb3: {  	[dreg:$0x0] =	wrdreg $0x60  }
0xb4: {  	[dreg:$0x2] =	wrdreg s24  }
0xb5: {  	[dreg:$0x3] =	wrdreg s16  }
0xb6: {  	[dreg:$0x4] =	wrdreg $0x9  }
0xb7: {  	_ =	task.clear_ibuf [dreg:s7], $0x5FFFF;
	_ =	strace $0x90000046  }
0xb8: {  	s29 =	simm.s32 $0x9;
	_ =	strace $0x80000048  }
0xb9: {  	_ =	swait.ge [sflag:s29], $0x1  }
0xba: {  	[sflag:s29] =	ssyncadd.s32 $0xFFFFFFFF  }
0xbb: {  	_ =	strace $0x90000048  }
0xbc: {  	_ =	sfence  }
0xbd: {  	s30 =	sld [smem:$0x0];
	_ =	sdelay $0x2  }
0xbe: {  	s31 =	sshll.u32 s1, $0xD;
	s1 =	sshrl.u32 s1, $0x2  }
0xbf: {  	s3 =	sand.u32 $0x4000, s31;
	s1 =	sadd.s32 s1, s30  }
0xc0: {  	s0 =	sor.u32 s3, s0;
	s1 =	sshll.u32 s1, $0x11  }
0xc1: {  	s0 =	sor.u32 s1, s0  }
0xc2: {  	s0 =	sadd.s32 $0x8F2B, s0  }
0xc3: {  	[sflag:s0] =	ssyncadd.remote.s32 $0x1  }
0xc4: {  	_ =	sfence.sel $0xFFFF  }
0xc5: {  	[dreg:$0x0] =	wrdreg $0xFFFFFFFF;
	(pc) =	sbr.abs _section_cstart, $3  }
0xc6: {  	[dreg:$0x1] =	wrdreg $0xFFFFFFFF  }
0xc7: {  	_ =	task.clear_ibuf [dreg:s7], $0x2FFFF;
	_ =	strace $0x9FFFFFFF  }
0xc8: {  	(tm) =	ssettm $0x7FFFFFFF  }
0xc9: {  	_ =	shalt  }
tec
execute0_lowered:
.L_overlay_start_1:
0x0: {  	(tag) =	ssettag $0x1  }
0x1: {  	s0 =	srdreg.scid;
	s2 =	stileid.u32  }
0x2: {  	s1 =	rddreg [dreg:$0x0];
	s0 =	sand.u32 $0x1, s0;
	s2 =	sshll.u32 s2, $0x1  }
0x3: {  	s4 =	rddreg [dreg:$0x1];
	s3 =	sor.u32 s0, s2;
	s2 =	simm.s32 $0x0  }
0x4: {  	s14 =	simm.s32 $0x80;
	[smem:$0x7FF] =	sst s2  }
0x5: {  	s15 =	simm.s32 $0xC0;
	_ =	strace $0x80000047;
	[dreg:$0x11] =	wrdreg s14  }
0x6: {  	s30 =	simm.s32 $0xF;
	s16 =	simm.s32 $0x100;
	[dreg:$0x12] =	wrdreg s15  }
0x7: {  	s22 =	simm.s32 $0x40;
	s17 =	simm.s32 $0x140;
	[dreg:$0x13] =	wrdreg s16  }
0x8: {  	s18 =	simm.s32 $0x380;
	s19 =	simm.s32 $0x180;
	[dreg:$0x14] =	wrdreg s17  }
0x9: {  	s20 =	simm.s32 $0x1C0;
	s5 =	smul.u32 $0x68, s3;
	[dreg:$0x15] =	wrdreg s19  }
0xa: {  	s21 =	simm.s32 $0x200;
	s6 =	smul.u32 $0x1A000, s3;
	[dreg:$0x16] =	wrdreg s20  }
0xb: {  	s3 =	smul.u32 $0x3400, s3;
	[dreg:$0x17] =	wrdreg s21;
	s5 =	sadd.s32 s5, s1  }
0xc: {  	s1 =	sadd.s32 $0x2600, s1;
	s6 =	sshrl.u32 s6, $0x3;
	s5 =	sadd.s32 $0x1800, s5  }
0xd: {  	s3 =	sadd.s32 s1, s3;
	s1 =	sadd.s32 s1, s6;
	[dreg:$0x3] =	wrdreg s5  }
0xe: {  	s31 =	simm.s32 $0x3;
	[dreg:$0x4] =	wrdreg s3;
	s23 =	sadd.s32 $0x400, s1  }
0xf: {  	s29 =	simm.s32 $0x4;
	s24 =	sadd.s32 $0x800, s1;
	[dreg:$0x5] =	wrdreg s23  }
0x10: {  	s28 =	simm.s32 $0x5;
	s25 =	sadd.s32 $0xC00, s1;
	[dreg:$0x6] =	wrdreg s24  }
0x11: {  	p0 =	por $0x0, $0x0;
	s26 =	sadd.s32 $0x1000, s1;
	[dreg:$0x7] =	wrdreg s25  }
0x12: {  	s0 =	ssub.s32 $0x2, s0;
	s5 =	sadd.s32 $0x1400, s1;
	[dreg:$0x8] =	wrdreg s26  }
0x13: {  	s11 =	sshrl.u32 s0, $0x1;
	s6 =	sadd.s32 $0x1800, s1;
	[dreg:$0x9] =	wrdreg s5  }
0x14: {  	s0 =	ssub.s32 s0, s11;
	s7 =	sadd.s32 $0x1C00, s1;
	[dreg:$0xa] =	wrdreg s6  }
0x15: {  	s21 =	simm.s32 $0xA;
	s8 =	sadd.s32 $0x2000, s1;
	[dreg:$0xb] =	wrdreg s7  }
0x16: {  	s19 =	simm.s32 $0xB;
	s9 =	sadd.s32 $0x2400, s1;
	[dreg:$0xc] =	wrdreg s8  }
0x17: {  	s17 =	simm.s32 $0xC;
	s10 =	sadd.s32 $0x2800, s1;
	[dreg:$0xd] =	wrdreg s9  }
0x18: {  	s14 =	simm.s32 $0xD;
	s12 =	sadd.s32 $0x2C00, s1;
	[dreg:$0xe] =	wrdreg s10  }
0x19: {  	s13 =	smax.u32 s0, $0x1;
	s1 =	sadd.s32 $0x3000, s1;
	[dreg:$0xf] =	wrdreg s12  }
0x1a: {  	s0 =	simm.s32 $0x1;
	p1 =	sne.s32 s13, $0x1;
	[dreg:$0x10] =	wrdreg s1  }
0x1b: {  	s3 =	simm.s32 $0xE;
	s23 =	simm.s32 $0x240;
	s6 =	rddreg [dreg:$0x3]  }
.Ltmp0:
0x1c: {  	s24 =	simm.s32 $0x280;
	[dreg:$0x18] =	wrdreg s23;
	(pc) =	sbr.rel @!p1 .LBB2_5-.Ltmp0, $4  }
0x1d: {  	s5 =	simm.s32 $0x2380;
	s25 =	simm.s32 $0x2C0;
	[dreg:$0x19] =	wrdreg s24  }
0x1e: {  	s26 =	simm.s32 $0x300;
	s1 =	simm.s32 $0x2;
	[dreg:$0x1a] =	wrdreg s25  }
0x1f: {  	s8 =	sadd.s32 $0xFFFFFFFF, s13;
	[dreg:$0x1b] =	wrdreg s26;
	s26 =	simm.s32 $0x6  }
0x20: {  	s25 =	simm.s32 $0x7;
	s24 =	simm.s32 $0x8;
	s23 =	simm.s32 $0x9  }
0x21: {  	[tilespmem:s2], [sflag:$0xF] =	stream.linear.gather [hbm4b:s6+s2], $0x340, $0x38;
	[tilespmem:$0x1A380] =	vst v63  }
0x22: {  	_ =	swait.ge [sflag:s30], $0x340  }
0x23: {  	[sflag:s30] =	ssyncset.done $0x0  }
0x24: {  	[sflag:s30] =	ssyncadd.s32 $0xFFFFFCC0  }
0x25: {  	[tilespmem:s18], [sflag:$0x1] =	stream.indirect.gather [hbm4b:s4+s22], $0x80, s2, s22, $0xb8;
	[tilespmem:$0x1A380] =	vst v63  }
0x26: {  	_ = 	snop  }
0x27: {  	[tilespmem:s5], [sflag:$0x2] =	stream.indirect.gather [hbm4b:s4+s22], $0x80, s22, s22, $0xb8;
	[tilespmem:$0x1A380] =	vst v63  }
0x28: {  	s7 =	simm.s32 $0x4380;
	s15 =	rddreg [dreg:$0x11]  }
0x29: {  	[tilespmem:s7], [sflag:$0x3] =	stream.indirect.gather [hbm4b:s4+s22], $0x80, s15, s22, $0xb8;
	[tilespmem:$0x1A380] =	vst v63  }
0x2a: {  	s16 =	rddreg [dreg:$0x12];
	s15 =	simm.s32 $0x6380  }
0x2b: {  	[tilespmem:s15], [sflag:$0x4] =	stream.indirect.gather [hbm4b:s4+s22], $0x80, s16, s22, $0xb8;
	[tilespmem:$0x1A380] =	vst v63  }
0x2c: {  	s13 =	simm.s32 $0x8380;
	s18 =	rddreg [dreg:$0x13]  }
0x2d: {  	[tilespmem:s13], [sflag:$0x5] =	stream.indirect.gather [hbm4b:s4+s22], $0x80, s18, s22, $0xb8;
	[tilespmem:$0x1A380] =	vst v63  }
0x2e: {  	s12 =	simm.s32 $0xA380;
	s20 =	rddreg [dreg:$0x14]  }
0x2f: {  	[tilespmem:s12], [sflag:$0x6] =	stream.indirect.gather [hbm4b:s4+s22], $0x80, s20, s22, $0xb8;
	[tilespmem:$0x1A380] =	vst v63  }
0x30: {  	s11 =	simm.s32 $0xC380;
	s10 =	rddreg [dreg:$0x15]  }
0x31: {  	[tilespmem:s11], [sflag:$0x7] =	stream.indirect.gather [hbm4b:s4+s22], $0x80, s10, s22, $0xb8;
	[tilespmem:$0x1A380] =	vst v63  }
0x32: {  	s16 =	rddreg [dreg:$0x16];
	s10 =	simm.s32 $0xE380  }
0x33: {  	[tilespmem:s10], [sflag:$0x8] =	stream.indirect.gather [hbm4b:s4+s22], $0x80, s16, s22, $0xb8;
	[tilespmem:$0x1A380] =	vst v63  }
0x34: {  	s18 =	rddreg [dreg:$0x17];
	s16 =	simm.s32 $0x10380  }
0x35: {  	[tilespmem:s16], [sflag:$0x9] =	stream.indirect.gather [hbm4b:s4+s22], $0x80, s18, s22, $0xb8;
	[tilespmem:$0x1A380] =	vst v63  }
0x36: {  	s20 =	rddreg [dreg:$0x18];
	s18 =	simm.s32 $0x12380  }
0x37: {  	[tilespmem:s18], [sflag:$0xA] =	stream.indirect.gather [hbm4b:s4+s22], $0x80, s20, s22, $0xb8;
	[tilespmem:$0x1A380] =	vst v63  }
0x38: {  	s6 =	rddreg [dreg:$0x19];
	s20 =	simm.s32 $0x14380  }
0x39: {  	[tilespmem:s20], [sflag:$0xB] =	stream.indirect.gather [hbm4b:s4+s22], $0x80, s6, s22, $0xb8;
	[tilespmem:$0x1A380] =	vst v63  }
0x3a: {  	s5 =	rddreg [dreg:$0x1a];
	s20 =	simm.s32 $0x16380  }
0x3b: {  	[tilespmem:s20], [sflag:$0xC] =	stream.indirect.gather [hbm4b:s4+s22], $0x80, s5, s22, $0xb8;
	[tilespmem:$0x1A380] =	vst v63  }
0x3c: {  	s6 =	rddreg [dreg:$0x1b];
	s5 =	simm.s32 $0x18380  }
0x3d: {  	[tilespmem:s5], [sflag:$0xD] =	stream.indirect.gather [hbm4b:s4+s22], $0x80, s6, s22, $0xb8;
	[tilespmem:$0x1A380] =	vst v63  }
0x3e: {  	_ =	swait.ge [sflag:s0], $0x2000  }
0x3f: {  	[sflag:s0] =	ssyncset.done $0x0  }
0x40: {  	s9 =	simm.s32 $0x380;
	s5 =	rddreg [dreg:$0x4];
	[sflag:s0] =	ssyncadd.s32 $0xFFFFE000  }
0x41: {  	[hbm4b:s5+s2] =	stream.linear.scatter [tilespmem:s9], [sflag:$0xE], $0x2000, $0x38;
	[tilespmem:$0x1A380] =	vst v63  }
0x42: {  	_ =	swait.ge [sflag:s1], $0x2000  }
0x43: {  	[sflag:s1] =	ssyncset.done $0x0  }
0x44: {  	s17 =	simm.s32 $0x2380;
	s9 =	rddreg [dreg:$0x5];
	[sflag:s1] =	ssyncadd.s32 $0xFFFFE000  }
0x45: {  	[hbm4b:s9+s2] =	stream.linear.scatter [tilespmem:s17], [sflag:$0xE], $0x2000, $0x38;
	[tilespmem:$0x1A380] =	vst v63  }
0x46: {  	_ =	swait.ge [sflag:s31], $0x2000  }
0x47: {  	[sflag:s31] =	ssyncset.done $0x0  }
0x48: {  	s9 =	rddreg [dreg:$0x6];
	[sflag:s31] =	ssyncadd.s32 $0xFFFFE000  }
0x49: {  	[hbm4b:s9+s2] =	stream.linear.scatter [tilespmem:s7], [sflag:$0xE], $0x2000, $0x38;
	[tilespmem:$0x1A380] =	vst v63  }
0x4a: {  	_ =	swait.ge [sflag:s29], $0x2000  }
0x4b: {  	[sflag:s29] =	ssyncset.done $0x0  }
0x4c: {  	s9 =	rddreg [dreg:$0x7];
	[sflag:s29] =	ssyncadd.s32 $0xFFFFE000  }
0x4d: {  	[hbm4b:s9+s2] =	stream.linear.scatter [tilespmem:s15], [sflag:$0xE], $0x2000, $0x38;
	[tilespmem:$0x1A380] =	vst v63  }
0x4e: {  	_ =	swait.ge [sflag:s28], $0x2000  }
0x4f: {  	[sflag:s28] =	ssyncset.done $0x0  }
0x50: {  	s15 =	rddreg [dreg:$0x8];
	[sflag:s28] =	ssyncadd.s32 $0xFFFFE000  }
0x51: {  	[hbm4b:s15+s2] =	stream.linear.scatter [tilespmem:s13], [sflag:$0xE], $0x2000, $0x38;
	[tilespmem:$0x1A380] =	vst v63  }
0x52: {  	_ =	swait.ge [sflag:s26], $0x2000  }
0x53: {  	[sflag:s26] =	ssyncset.done $0x0  }
0x54: {  	s7 =	rddreg [dreg:$0x9];
	[sflag:s26] =	ssyncadd.s32 $0xFFFFE000  }
0x55: {  	[hbm4b:s7+s2] =	stream.linear.scatter [tilespmem:s12], [sflag:$0xE], $0x2000, $0x38;
	[tilespmem:$0x1A380] =	vst v63  }
0x56: {  	_ =	swait.ge [sflag:s25], $0x2000  }
0x57: {  	[sflag:s25] =	ssyncset.done $0x0  }
0x58: {  	s9 =	rddreg [dreg:$0xa];
	[sflag:s25] =	ssyncadd.s32 $0xFFFFE000  }
0x59: {  	[hbm4b:s9+s2] =	stream.linear.scatter [tilespmem:s11], [sflag:$0xE], $0x2000, $0x38;
	[tilespmem:$0x1A380] =	vst v63  }
0x5a: {  	_ =	swait.ge [sflag:s24], $0x2000  }
0x5b: {  	[sflag:s24] =	ssyncset.done $0x0  }
0x5c: {  	s11 =	rddreg [dreg:$0xb];
	[sflag:s24] =	ssyncadd.s32 $0xFFFFE000  }
0x5d: {  	[hbm4b:s11+s2] =	stream.linear.scatter [tilespmem:s10], [sflag:$0xE], $0x2000, $0x38;
	[tilespmem:$0x1A380] =	vst v63  }
0x5e: {  	_ =	swait.ge [sflag:s23], $0x2000  }
0x5f: {  	[sflag:s23] =	ssyncset.done $0x0  }
0x60: {  	s12 =	rddreg [dreg:$0xc];
	[sflag:s23] =	ssyncadd.s32 $0xFFFFE000  }
0x61: {  	[hbm4b:s12+s2] =	stream.linear.scatter [tilespmem:s16], [sflag:$0xE], $0x2000, $0x38;
	[tilespmem:$0x1A380] =	vst v63  }
0x62: {  	_ =	swait.ge [sflag:s21], $0x2000  }
0x63: {  	[sflag:s21] =	ssyncset.done $0x0  }
0x64: {  	s13 =	rddreg [dreg:$0xd];
	[sflag:s21] =	ssyncadd.s32 $0xFFFFE000  }
0x65: {  	[hbm4b:s13+s2] =	stream.linear.scatter [tilespmem:s18], [sflag:$0xE], $0x2000, $0x38;
	[tilespmem:$0x1A380] =	vst v63  }
0x66: {  	_ =	swait.ge [sflag:s19], $0x2000  }
0x67: {  	s17 =	simm.s32 $0xC;
	[sflag:s19] =	ssyncset.done $0x0  }
0x68: {  	s16 =	simm.s32 $0x14380;
	s15 =	rddreg [dreg:$0xe];
	[sflag:s19] =	ssyncadd.s32 $0xFFFFE000  }
0x69: {  	[hbm4b:s15+s2] =	stream.linear.scatter [tilespmem:s16], [sflag:$0xE], $0x2000, $0x38;
	[tilespmem:$0x1A380] =	vst v63  }
0x6a: {  	_ =	swait.ge [sflag:s17], $0x2000  }
0x6b: {  	[sflag:s17] =	ssyncset.done $0x0  }
0x6c: {  	s20 =	simm.s32 $0x16380;
	s18 =	rddreg [dreg:$0xf];
	[sflag:s17] =	ssyncadd.s32 $0xFFFFE000  }
0x6d: {  	[hbm4b:s18+s2] =	stream.linear.scatter [tilespmem:s20], [sflag:$0xE], $0x2000, $0x38;
	[tilespmem:$0x1A380] =	vst v63  }
0x6e: {  	_ =	swait.ge [sflag:s14], $0x2000  }
0x6f: {  	[sflag:s14] =	ssyncset.done $0x0  }
0x70: {  	s6 =	simm.s32 $0x18380;
	s20 =	rddreg [dreg:$0x10];
	[sflag:s14] =	ssyncadd.s32 $0xFFFFE000  }
0x71: {  	[hbm4b:s20+s2] =	stream.linear.scatter [tilespmem:s6], [sflag:$0xE], $0x2000, $0x38;
	[tilespmem:$0x1A380] =	vst v63  }
0x72: {  	_ =	swait.ge [sflag:s3], $0x2000  }
0x73: {  	[sflag:s3] =	ssyncset.done $0x0  }
0x74: {  	[sflag:s3] =	ssyncadd.s32 $0xFFFFE000  }
0x75: {  	_ =	swait.ge [sflag:s3], $0x2000  }
0x76: {  	[sflag:s3] =	ssyncset.done $0x0  }
0x77: {  	[sflag:s3] =	ssyncadd.s32 $0xFFFFE000  }
0x78: {  	_ =	swait.ge [sflag:s3], $0x2000  }
0x79: {  	[sflag:s3] =	ssyncset.done $0x0  }
0x7a: {  	[sflag:s3] =	ssyncadd.s32 $0xFFFFE000  }
0x7b: {  	_ =	swait.ge [sflag:s3], $0x2000  }
0x7c: {  	[sflag:s3] =	ssyncset.done $0x0  }
0x7d: {  	[sflag:s3] =	ssyncadd.s32 $0xFFFFE000  }
0x7e: {  	_ =	swait.ge [sflag:s3], $0x2000  }
0x7f: {  	[sflag:s3] =	ssyncset.done $0x0  }
0x80: {  	[sflag:s3] =	ssyncadd.s32 $0xFFFFE000  }
0x81: {  	_ =	swait.ge [sflag:s3], $0x2000  }
0x82: {  	[sflag:s3] =	ssyncset.done $0x0  }
0x83: {  	[sflag:s3] =	ssyncadd.s32 $0xFFFFE000  }
0x84: {  	_ =	swait.ge [sflag:s3], $0x2000  }
0x85: {  	[sflag:s3] =	ssyncset.done $0x0  }
0x86: {  	[sflag:s3] =	ssyncadd.s32 $0xFFFFE000  }
0x87: {  	_ =	swait.ge [sflag:s3], $0x2000  }
0x88: {  	[sflag:s3] =	ssyncset.done $0x0  }
0x89: {  	[sflag:s3] =	ssyncadd.s32 $0xFFFFE000  }
0x8a: {  	_ =	swait.ge [sflag:s3], $0x2000  }
0x8b: {  	[sflag:s3] =	ssyncset.done $0x0  }
0x8c: {  	[sflag:s3] =	ssyncadd.s32 $0xFFFFE000  }
0x8d: {  	_ =	swait.ge [sflag:s3], $0x2000  }
0x8e: {  	[sflag:s3] =	ssyncset.done $0x0  }
0x8f: {  	[sflag:s3] =	ssyncadd.s32 $0xFFFFE000  }
0x90: {  	_ =	swait.ge [sflag:s3], $0x2000  }
0x91: {  	[sflag:s3] =	ssyncset.done $0x0  }
0x92: {  	p1 =	sne.s32 s8, $0x1;
	[sflag:s3] =	ssyncadd.s32 $0xFFFFE000  }
.Ltmp1:
0x93: {  	_ =	swait.ge [sflag:s3], $0x2000;
	(pc) =	sbr.rel @!p1 .LBB2_6-.Ltmp1, $4  }
0x94: {  	[sflag:s3] =	ssyncset.done $0x0  }
0x95: {  	[sflag:s3] =	ssyncadd.s32 $0xFFFFE000  }
0x96: {  	p0 =	por $0x1, $0x1;
	_ =	swait.ge [sflag:s3], $0x2000  }
0x97: {  	s5 =	sadd.s32 $0xFFFFFFFF, s8;
	s6 =	rddreg [dreg:$0x3];
	[sflag:s3] =	ssyncset.done $0x0  }
0x98: {  	s16 =	simm.s32 $0x4380  }
0x99: {  	s15 =	simm.s32 $0x6380;
	s13 =	simm.s32 $0x8380;
	s12 =	simm.s32 $0xA380  }
0x9a: {  	s11 =	simm.s32 $0xC380;
	s10 =	simm.s32 $0xE380;
	s9 =	simm.s32 $0x10380  }
0x9b: {  	s8 =	simm.s32 $0x12380;
	s20 =	simm.s32 $0x14380;
	s18 =	simm.s32 $0x16380  }
.LBB2_3:
0x9c: {  	[sflag:s3] =	ssyncadd.s32 $0xFFFFE000  }
0x9d: {  	[tilespmem:s2], [sflag:$0xF] =	stream.linear.gather [hbm4b:s6+s2], $0x340, $0x38;
	[tilespmem:$0x1A380] =	vst v63  }
0x9e: {  	_ =	swait.ge [sflag:s30], $0x340  }
0x9f: {  	[sflag:s30] =	ssyncset.done $0x0  }
0xa0: {  	s14 =	simm.s32 $0x380;
	[sflag:s30] =	ssyncadd.s32 $0xFFFFFCC0  }
0xa1: {  	[tilespmem:s14], [sflag:$0x1] =	stream.indirect.gather [hbm4b:s4+s22], $0x80, s2, s22, $0xb8;
	[tilespmem:$0x1A380] =	vst v63  }
0xa2: {  	s17 =	simm.s32 $0x2380  }
0xa3: {  	[tilespmem:s17], [sflag:$0x2] =	stream.indirect.gather [hbm4b:s4+s22], $0x80, s22, s22, $0xb8;
	[tilespmem:$0x1A380] =	vst v63  }
0xa4: {  	s6 =	rddreg [dreg:$0x11]  }
0xa5: {  	[tilespmem:s16], [sflag:$0x3] =	stream.indirect.gather [hbm4b:s4+s22], $0x80, s6, s22, $0xb8;
	[tilespmem:$0x1A380] =	vst v63  }
0xa6: {  	s7 =	rddreg [dreg:$0x12]  }
0xa7: {  	[tilespmem:s15], [sflag:$0x4] =	stream.indirect.gather [hbm4b:s4+s22], $0x80, s7, s22, $0xb8;
	[tilespmem:$0x1A380] =	vst v63  }
0xa8: {  	s6 =	rddreg [dreg:$0x13]  }
0xa9: {  	[tilespmem:s13], [sflag:$0x5] =	stream.indirect.gather [hbm4b:s4+s22], $0x80, s6, s22, $0xb8;
	[tilespmem:$0x1A380] =	vst v63  }
0xaa: {  	s7 =	rddreg [dreg:$0x14]  }
0xab: {  	[tilespmem:s12], [sflag:$0x6] =	stream.indirect.gather [hbm4b:s4+s22], $0x80, s7, s22, $0xb8;
	[tilespmem:$0x1A380] =	vst v63  }
0xac: {  	s6 =	rddreg [dreg:$0x15]  }
0xad: {  	[tilespmem:s11], [sflag:$0x7] =	stream.indirect.gather [hbm4b:s4+s22], $0x80, s6, s22, $0xb8;
	[tilespmem:$0x1A380] =	vst v63  }
0xae: {  	s7 =	rddreg [dreg:$0x16]  }
0xaf: {  	[tilespmem:s10], [sflag:$0x8] =	stream.indirect.gather [hbm4b:s4+s22], $0x80, s7, s22, $0xb8;
	[tilespmem:$0x1A380] =	vst v63  }
0xb0: {  	s6 =	rddreg [dreg:$0x17]  }
0xb1: {  	[tilespmem:s9], [sflag:$0x9] =	stream.indirect.gather [hbm4b:s4+s22], $0x80, s6, s22, $0xb8;
	[tilespmem:$0x1A380] =	vst v63  }
0xb2: {  	s7 =	rddreg [dreg:$0x18]  }
0xb3: {  	[tilespmem:s8], [sflag:$0xA] =	stream.indirect.gather [hbm4b:s4+s22], $0x80, s7, s22, $0xb8;
	[tilespmem:$0x1A380] =	vst v63  }
0xb4: {  	s6 =	rddreg [dreg:$0x19]  }
0xb5: {  	[tilespmem:s20], [sflag:$0xB] =	stream.indirect.gather [hbm4b:s4+s22], $0x80, s6, s22, $0xb8;
	[tilespmem:$0x1A380] =	vst v63  }
0xb6: {  	s7 =	rddreg [dreg:$0x1a]  }
0xb7: {  	[tilespmem:s18], [sflag:$0xC] =	stream.indirect.gather [hbm4b:s4+s22], $0x80, s7, s22, $0xb8;
	[tilespmem:$0x1A380] =	vst v63  }
0xb8: {  	s6 =	rddreg [dreg:$0x1b];
	s7 =	simm.s32 $0x18380  }
0xb9: {  	[tilespmem:s7], [sflag:$0xD] =	stream.indirect.gather [hbm4b:s4+s22], $0x80, s6, s22, $0xb8;
	[tilespmem:$0x1A380] =	vst v63  }
0xba: {  	_ =	swait.ge [sflag:s0], $0x2000  }
0xbb: {  	[sflag:s0] =	ssyncset.done $0x0  }
0xbc: {  	s6 =	rddreg [dreg:$0x4];
	[sflag:s0] =	ssyncadd.s32 $0xFFFFE000  }
0xbd: {  	[hbm4b:s6+s2] =	stream.linear.scatter [tilespmem:s14], [sflag:$0xE], $0x2000, $0x38;
	[tilespmem:$0x1A380] =	vst v63  }
0xbe: {  	_ =	swait.ge [sflag:s1], $0x2000  }
0xbf: {  	[sflag:s1] =	ssyncset.done $0x0  }
0xc0: {  	s6 =	rddreg [dreg:$0x5];
	[sflag:s1] =	ssyncadd.s32 $0xFFFFE000  }
0xc1: {  	[hbm4b:s6+s2] =	stream.linear.scatter [tilespmem:s17], [sflag:$0xE], $0x2000, $0x38;
	[tilespmem:$0x1A380] =	vst v63  }
0xc2: {  	_ =	swait.ge [sflag:s31], $0x2000  }
0xc3: {  	[sflag:s31] =	ssyncset.done $0x0  }
0xc4: {  	s6 =	rddreg [dreg:$0x6];
	[sflag:s31] =	ssyncadd.s32 $0xFFFFE000  }
0xc5: {  	[hbm4b:s6+s2] =	stream.linear.scatter [tilespmem:s16], [sflag:$0xE], $0x2000, $0x38;
	[tilespmem:$0x1A380] =	vst v63  }
0xc6: {  	_ =	swait.ge [sflag:s29], $0x2000  }
0xc7: {  	[sflag:s29] =	ssyncset.done $0x0  }
0xc8: {  	s6 =	rddreg [dreg:$0x7];
	[sflag:s29] =	ssyncadd.s32 $0xFFFFE000  }
0xc9: {  	[hbm4b:s6+s2] =	stream.linear.scatter [tilespmem:s15], [sflag:$0xE], $0x2000, $0x38;
	[tilespmem:$0x1A380] =	vst v63  }
0xca: {  	_ =	swait.ge [sflag:s28], $0x2000  }
0xcb: {  	[sflag:s28] =	ssyncset.done $0x0  }
0xcc: {  	s6 =	rddreg [dreg:$0x8];
	[sflag:s28] =	ssyncadd.s32 $0xFFFFE000  }
0xcd: {  	[hbm4b:s6+s2] =	stream.linear.scatter [tilespmem:s13], [sflag:$0xE], $0x2000, $0x38;
	[tilespmem:$0x1A380] =	vst v63  }
0xce: {  	_ =	swait.ge [sflag:s26], $0x2000  }
0xcf: {  	[sflag:s26] =	ssyncset.done $0x0  }
0xd0: {  	s6 =	rddreg [dreg:$0x9];
	[sflag:s26] =	ssyncadd.s32 $0xFFFFE000  }
0xd1: {  	[hbm4b:s6+s2] =	stream.linear.scatter [tilespmem:s12], [sflag:$0xE], $0x2000, $0x38;
	[tilespmem:$0x1A380] =	vst v63  }
0xd2: {  	_ =	swait.ge [sflag:s25], $0x2000  }
0xd3: {  	[sflag:s25] =	ssyncset.done $0x0  }
0xd4: {  	s6 =	rddreg [dreg:$0xa];
	[sflag:s25] =	ssyncadd.s32 $0xFFFFE000  }
0xd5: {  	[hbm4b:s6+s2] =	stream.linear.scatter [tilespmem:s11], [sflag:$0xE], $0x2000, $0x38;
	[tilespmem:$0x1A380] =	vst v63  }
0xd6: {  	_ =	swait.ge [sflag:s24], $0x2000  }
0xd7: {  	[sflag:s24] =	ssyncset.done $0x0  }
0xd8: {  	s6 =	rddreg [dreg:$0xb];
	[sflag:s24] =	ssyncadd.s32 $0xFFFFE000  }
0xd9: {  	[hbm4b:s6+s2] =	stream.linear.scatter [tilespmem:s10], [sflag:$0xE], $0x2000, $0x38;
	[tilespmem:$0x1A380] =	vst v63  }
0xda: {  	_ =	swait.ge [sflag:s23], $0x2000  }
0xdb: {  	[sflag:s23] =	ssyncset.done $0x0  }
0xdc: {  	s6 =	rddreg [dreg:$0xc];
	[sflag:s23] =	ssyncadd.s32 $0xFFFFE000  }
0xdd: {  	[hbm4b:s6+s2] =	stream.linear.scatter [tilespmem:s9], [sflag:$0xE], $0x2000, $0x38;
	[tilespmem:$0x1A380] =	vst v63  }
0xde: {  	_ =	swait.ge [sflag:s21], $0x2000  }
0xdf: {  	[sflag:s21] =	ssyncset.done $0x0  }
0xe0: {  	s6 =	rddreg [dreg:$0xd];
	[sflag:s21] =	ssyncadd.s32 $0xFFFFE000  }
0xe1: {  	[hbm4b:s6+s2] =	stream.linear.scatter [tilespmem:s8], [sflag:$0xE], $0x2000, $0x38;
	[tilespmem:$0x1A380] =	vst v63  }
0xe2: {  	_ =	swait.ge [sflag:s19], $0x2000  }
0xe3: {  	[sflag:s19] =	ssyncset.done $0x0  }
0xe4: {  	s17 =	simm.s32 $0xC;
	s6 =	rddreg [dreg:$0xe];
	[sflag:s19] =	ssyncadd.s32 $0xFFFFE000  }
0xe5: {  	[hbm4b:s6+s2] =	stream.linear.scatter [tilespmem:s20], [sflag:$0xE], $0x2000, $0x38;
	[tilespmem:$0x1A380] =	vst v63  }
0xe6: {  	_ =	swait.ge [sflag:s17], $0x2000  }
0xe7: {  	[sflag:s17] =	ssyncset.done $0x0  }
0xe8: {  	s14 =	simm.s32 $0xD;
	s6 =	rddreg [dreg:$0xf];
	[sflag:s17] =	ssyncadd.s32 $0xFFFFE000  }
0xe9: {  	[hbm4b:s6+s2] =	stream.linear.scatter [tilespmem:s18], [sflag:$0xE], $0x2000, $0x38;
	[tilespmem:$0x1A380] =	vst v63  }
0xea: {  	_ =	swait.ge [sflag:s14], $0x2000  }
0xeb: {  	[sflag:s14] =	ssyncset.done $0x0  }
0xec: {  	s6 =	rddreg [dreg:$0x10];
	[sflag:s14] =	ssyncadd.s32 $0xFFFFE000  }
0xed: {  	[hbm4b:s6+s2] =	stream.linear.scatter [tilespmem:s7], [sflag:$0xE], $0x2000, $0x38;
	[tilespmem:$0x1A380] =	vst v63  }
0xee: {  	_ =	swait.ge [sflag:s3], $0x2000  }
0xef: {  	[sflag:s3] =	ssyncset.done $0x0  }
0xf0: {  	[sflag:s3] =	ssyncadd.s32 $0xFFFFE000  }
0xf1: {  	_ =	swait.ge [sflag:s3], $0x2000  }
0xf2: {  	[sflag:s3] =	ssyncset.done $0x0  }
0xf3: {  	[sflag:s3] =	ssyncadd.s32 $0xFFFFE000  }
0xf4: {  	_ =	swait.ge [sflag:s3], $0x2000  }
0xf5: {  	[sflag:s3] =	ssyncset.done $0x0  }
0xf6: {  	[sflag:s3] =	ssyncadd.s32 $0xFFFFE000  }
0xf7: {  	_ =	swait.ge [sflag:s3], $0x2000  }
0xf8: {  	[sflag:s3] =	ssyncset.done $0x0  }
0xf9: {  	[sflag:s3] =	ssyncadd.s32 $0xFFFFE000  }
0xfa: {  	_ =	swait.ge [sflag:s3], $0x2000  }
0xfb: {  	[sflag:s3] =	ssyncset.done $0x0  }
0xfc: {  	[sflag:s3] =	ssyncadd.s32 $0xFFFFE000  }
0xfd: {  	_ =	swait.ge [sflag:s3], $0x2000  }
0xfe: {  	[sflag:s3] =	ssyncset.done $0x0  }
0xff: {  	[sflag:s3] =	ssyncadd.s32 $0xFFFFE000  }
0x100: {  	_ =	swait.ge [sflag:s3], $0x2000  }
0x101: {  	[sflag:s3] =	ssyncset.done $0x0  }
0x102: {  	[sflag:s3] =	ssyncadd.s32 $0xFFFFE000  }
0x103: {  	_ =	swait.ge [sflag:s3], $0x2000  }
0x104: {  	[sflag:s3] =	ssyncset.done $0x0  }
0x105: {  	[sflag:s3] =	ssyncadd.s32 $0xFFFFE000  }
0x106: {  	_ =	swait.ge [sflag:s3], $0x2000  }
0x107: {  	[sflag:s3] =	ssyncset.done $0x0  }
0x108: {  	[sflag:s3] =	ssyncadd.s32 $0xFFFFE000  }
0x109: {  	_ =	swait.ge [sflag:s3], $0x2000  }
0x10a: {  	[sflag:s3] =	ssyncset.done $0x0  }
0x10b: {  	[sflag:s3] =	ssyncadd.s32 $0xFFFFE000  }
0x10c: {  	_ =	swait.ge [sflag:s3], $0x2000  }
0x10d: {  	[sflag:s3] =	ssyncset.done $0x0  }
0x10e: {  	p1 =	sne.s32 s5, $0x1;
	[sflag:s3] =	ssyncadd.s32 $0xFFFFE000  }
.Ltmp2:
0x10f: {  	_ =	swait.ge [sflag:s3], $0x2000;
	(pc) =	sbr.rel @p1 .LBB2_3-.Ltmp2, $4  }
0x110: {  	[sflag:s3] =	ssyncset.done $0x0  }
0x111: {  	[sflag:s3] =	ssyncadd.s32 $0xFFFFE000  }
0x112: {  	_ =	swait.ge [sflag:s3], $0x2000  }
0x113: {  	s5 =	sadd.s32 $0xFFFFFFFF, s5;
	s6 =	rddreg [dreg:$0x3];
	[sflag:s3] =	ssyncset.done $0x0  }
0x114: {  	s18 =	simm.s32 $0x380  }
.LBB2_5:
0x115: {  	[sflag:s3] =	ssyncadd.s32 @p0 $0xFFFFE000  }
0x116: {  	[tilespmem:s2], [sflag:$0xF] =	stream.linear.gather [hbm4b:s6+s2], $0x340, $0x38;
	[tilespmem:$0x1A380] =	vst v63  }
0x117: {  	_ =	swait.ge [sflag:s30], $0x340  }
0x118: {  	[sflag:s30] =	ssyncset.done $0x0  }
0x119: {  	[sflag:s30] =	ssyncadd.s32 $0xFFFFFCC0  }
0x11a: {  	[tilespmem:s18], [sflag:$0x1] =	stream.indirect.gather [hbm4b:s4+s22], $0x80, s2, s22, $0xb8;
	[tilespmem:$0x1A380] =	vst v63  }
0x11b: {  	s30 =	simm.s32 $0x2380  }
0x11c: {  	[tilespmem:s30], [sflag:$0x2] =	stream.indirect.gather [hbm4b:s4+s22], $0x80, s22, s22, $0xb8;
	[tilespmem:$0x1A380] =	vst v63  }
0x11d: {  	s20 =	simm.s32 $0x4380;
	s5 =	rddreg [dreg:$0x11]  }
0x11e: {  	[tilespmem:s20], [sflag:$0x3] =	stream.indirect.gather [hbm4b:s4+s22], $0x80, s5, s22, $0xb8;
	[tilespmem:$0x1A380] =	vst v63  }
0x11f: {  	s16 =	rddreg [dreg:$0x12];
	s18 =	simm.s32 $0x6380  }
0x120: {  	[tilespmem:s18], [sflag:$0x4] =	stream.indirect.gather [hbm4b:s4+s22], $0x80, s16, s22, $0xb8;
	[tilespmem:$0x1A380] =	vst v63  }
0x121: {  	s8 =	rddreg [dreg:$0x13];
	s16 =	simm.s32 $0x8380  }
0x122: {  	[tilespmem:s16], [sflag:$0x5] =	stream.indirect.gather [hbm4b:s4+s22], $0x80, s8, s22, $0xb8;
	[tilespmem:$0x1A380] =	vst v63  }
0x123: {  	s15 =	simm.s32 $0xA380;
	s9 =	rddreg [dreg:$0x14]  }
0x124: {  	[tilespmem:s15], [sflag:$0x6] =	stream.indirect.gather [hbm4b:s4+s22], $0x80, s9, s22, $0xb8;
	[tilespmem:$0x1A380] =	vst v63  }
0x125: {  	s13 =	simm.s32 $0xC380;
	s10 =	rddreg [dreg:$0x15]  }
0x126: {  	[tilespmem:s13], [sflag:$0x7] =	stream.indirect.gather [hbm4b:s4+s22], $0x80, s10, s22, $0xb8;
	[tilespmem:$0x1A380] =	vst v63  }
0x127: {  	s12 =	simm.s32 $0xE380;
	s11 =	rddreg [dreg:$0x16]  }
0x128: {  	[tilespmem:s12], [sflag:$0x8] =	stream.indirect.gather [hbm4b:s4+s22], $0x80, s11, s22, $0xb8;
	[tilespmem:$0x1A380] =	vst v63  }
0x129: {  	s8 =	rddreg [dreg:$0x17];
	s11 =	simm.s32 $0x10380  }
0x12a: {  	[tilespmem:s11], [sflag:$0x9] =	stream.indirect.gather [hbm4b:s4+s22], $0x80, s8, s22, $0xb8;
	[tilespmem:$0x1A380] =	vst v63  }
0x12b: {  	s9 =	rddreg [dreg:$0x18];
	s10 =	simm.s32 $0x12380  }
0x12c: {  	[tilespmem:s10], [sflag:$0xA] =	stream.indirect.gather [hbm4b:s4+s22], $0x80, s9, s22, $0xb8;
	[tilespmem:$0x1A380] =	vst v63  }
0x12d: {  	s8 =	rddreg [dreg:$0x19];
	s9 =	simm.s32 $0x14380  }
0x12e: {  	[tilespmem:s9], [sflag:$0xB] =	stream.indirect.gather [hbm4b:s4+s22], $0x80, s8, s22, $0xb8;
	[tilespmem:$0x1A380] =	vst v63  }
0x12f: {  	s6 =	rddreg [dreg:$0x1a];
	s8 =	simm.s32 $0x16380  }
0x130: {  	[tilespmem:s8], [sflag:$0xC] =	stream.indirect.gather [hbm4b:s4+s22], $0x80, s6, s22, $0xb8;
	[tilespmem:$0x1A380] =	vst v63  }
0x131: {  	s5 =	rddreg [dreg:$0x1b];
	s6 =	simm.s32 $0x18380  }
0x132: {  	[tilespmem:s6], [sflag:$0xD] =	stream.indirect.gather [hbm4b:s4+s22], $0x80, s5, s22, $0xb8;
	[tilespmem:$0x1A380] =	vst v63  }
0x133: {  	_ =	swait.ge [sflag:s0], $0x2000  }
0x134: {  	[sflag:s0] =	ssyncset.done $0x0  }
0x135: {  	s7 =	simm.s32 $0x380;
	s5 =	rddreg [dreg:$0x4];
	[sflag:s0] =	ssyncadd.s32 $0xFFFFE000  }
0x136: {  	[hbm4b:s5+s2] =	stream.linear.scatter [tilespmem:s7], [sflag:$0xE], $0x2000, $0x38;
	[tilespmem:$0x1A380] =	vst v63  }
0x137: {  	_ =	swait.ge [sflag:s1], $0x2000  }
0x138: {  	[sflag:s1] =	ssyncset.done $0x0  }
0x139: {  	s22 =	rddreg [dreg:$0x5];
	[sflag:s1] =	ssyncadd.s32 $0xFFFFE000  }
0x13a: {  	[hbm4b:s22+s2] =	stream.linear.scatter [tilespmem:s30], [sflag:$0xE], $0x2000, $0x38;
	[tilespmem:$0x1A380] =	vst v63  }
0x13b: {  	_ =	swait.ge [sflag:s31], $0x2000  }
0x13c: {  	[sflag:s31] =	ssyncset.done $0x0  }
0x13d: {  	s4 =	rddreg [dreg:$0x6];
	[sflag:s31] =	ssyncadd.s32 $0xFFFFE000  }
0x13e: {  	[hbm4b:s4+s2] =	stream.linear.scatter [tilespmem:s20], [sflag:$0xE], $0x2000, $0x38;
	[tilespmem:$0x1A380] =	vst v63  }
0x13f: {  	_ =	swait.ge [sflag:s29], $0x2000  }
0x140: {  	[sflag:s29] =	ssyncset.done $0x0  }
0x141: {  	s5 =	rddreg [dreg:$0x7];
	[sflag:s29] =	ssyncadd.s32 $0xFFFFE000  }
0x142: {  	[hbm4b:s5+s2] =	stream.linear.scatter [tilespmem:s18], [sflag:$0xE], $0x2000, $0x38;
	[tilespmem:$0x1A380] =	vst v63  }
0x143: {  	_ =	swait.ge [sflag:s28], $0x2000  }
0x144: {  	[sflag:s28] =	ssyncset.done $0x0  }
0x145: {  	s7 =	rddreg [dreg:$0x8];
	[sflag:s28] =	ssyncadd.s32 $0xFFFFE000  }
0x146: {  	[hbm4b:s7+s2] =	stream.linear.scatter [tilespmem:s16], [sflag:$0xE], $0x2000, $0x38;
	[tilespmem:$0x1A380] =	vst v63  }
0x147: {  	_ =	swait.ge [sflag:s26], $0x2000  }
0x148: {  	[sflag:s26] =	ssyncset.done $0x0  }
0x149: {  	s18 =	rddreg [dreg:$0x9];
	[sflag:s26] =	ssyncadd.s32 $0xFFFFE000  }
0x14a: {  	[hbm4b:s18+s2] =	stream.linear.scatter [tilespmem:s15], [sflag:$0xE], $0x2000, $0x38;
	[tilespmem:$0x1A380] =	vst v63  }
0x14b: {  	_ =	swait.ge [sflag:s25], $0x2000  }
0x14c: {  	[sflag:s25] =	ssyncset.done $0x0  }
0x14d: {  	s20 =	rddreg [dreg:$0xa];
	[sflag:s25] =	ssyncadd.s32 $0xFFFFE000  }
0x14e: {  	[hbm4b:s20+s2] =	stream.linear.scatter [tilespmem:s13], [sflag:$0xE], $0x2000, $0x38;
	[tilespmem:$0x1A380] =	vst v63  }
0x14f: {  	_ =	swait.ge [sflag:s24], $0x2000  }
0x150: {  	[sflag:s24] =	ssyncset.done $0x0  }
0x151: {  	s22 =	rddreg [dreg:$0xb];
	[sflag:s24] =	ssyncadd.s32 $0xFFFFE000  }
0x152: {  	[hbm4b:s22+s2] =	stream.linear.scatter [tilespmem:s12], [sflag:$0xE], $0x2000, $0x38;
	[tilespmem:$0x1A380] =	vst v63  }
0x153: {  	_ =	swait.ge [sflag:s23], $0x2000  }
0x154: {  	[sflag:s23] =	ssyncset.done $0x0  }
0x155: {  	s25 =	rddreg [dreg:$0xc];
	[sflag:s23] =	ssyncadd.s32 $0xFFFFE000  }
0x156: {  	[hbm4b:s25+s2] =	stream.linear.scatter [tilespmem:s11], [sflag:$0xE], $0x2000, $0x38;
	[tilespmem:$0x1A380] =	vst v63  }
0x157: {  	_ =	swait.ge [sflag:s21], $0x2000  }
0x158: {  	[sflag:s21] =	ssyncset.done $0x0  }
0x159: {  	s26 =	rddreg [dreg:$0xd];
	[sflag:s21] =	ssyncadd.s32 $0xFFFFE000  }
0x15a: {  	[hbm4b:s26+s2] =	stream.linear.scatter [tilespmem:s10], [sflag:$0xE], $0x2000, $0x38;
	[tilespmem:$0x1A380] =	vst v63  }
0x15b: {  	_ =	swait.ge [sflag:s19], $0x2000  }
0x15c: {  	[sflag:s19] =	ssyncset.done $0x0  }
0x15d: {  	s28 =	rddreg [dreg:$0xe];
	[sflag:s19] =	ssyncadd.s32 $0xFFFFE000  }
0x15e: {  	[hbm4b:s28+s2] =	stream.linear.scatter [tilespmem:s9], [sflag:$0xE], $0x2000, $0x38;
	[tilespmem:$0x1A380] =	vst v63  }
0x15f: {  	_ =	swait.ge [sflag:s17], $0x2000  }
0x160: {  	[sflag:s17] =	ssyncset.done $0x0  }
0x161: {  	s29 =	rddreg [dreg:$0xf];
	[sflag:s17] =	ssyncadd.s32 $0xFFFFE000  }
0x162: {  	[hbm4b:s29+s2] =	stream.linear.scatter [tilespmem:s8], [sflag:$0xE], $0x2000, $0x38;
	[tilespmem:$0x1A380] =	vst v63  }
0x163: {  	_ =	swait.ge [sflag:s14], $0x2000  }
0x164: {  	[sflag:s14] =	ssyncset.done $0x0  }
0x165: {  	s30 =	rddreg [dreg:$0x10];
	[sflag:s14] =	ssyncadd.s32 $0xFFFFE000  }
0x166: {  	[hbm4b:s30+s2] =	stream.linear.scatter [tilespmem:s6], [sflag:$0xE], $0x2000, $0x38;
	[tilespmem:$0x1A380] =	vst v63  }
0x167: {  	_ =	swait.ge [sflag:s3], $0x2000  }
0x168: {  	[sflag:s3] =	ssyncset.done $0x0  }
0x169: {  	[sflag:s3] =	ssyncadd.s32 $0xFFFFE000  }
0x16a: {  	_ =	swait.ge [sflag:s3], $0x2000  }
0x16b: {  	[sflag:s3] =	ssyncset.done $0x0  }
0x16c: {  	[sflag:s3] =	ssyncadd.s32 $0xFFFFE000  }
0x16d: {  	_ =	swait.ge [sflag:s3], $0x2000  }
0x16e: {  	[sflag:s3] =	ssyncset.done $0x0  }
0x16f: {  	[sflag:s3] =	ssyncadd.s32 $0xFFFFE000  }
0x170: {  	_ =	swait.ge [sflag:s3], $0x2000  }
0x171: {  	[sflag:s3] =	ssyncset.done $0x0  }
0x172: {  	[sflag:s3] =	ssyncadd.s32 $0xFFFFE000  }
0x173: {  	_ =	swait.ge [sflag:s3], $0x2000  }
0x174: {  	[sflag:s3] =	ssyncset.done $0x0  }
0x175: {  	[sflag:s3] =	ssyncadd.s32 $0xFFFFE000  }
0x176: {  	_ =	swait.ge [sflag:s3], $0x2000  }
0x177: {  	[sflag:s3] =	ssyncset.done $0x0  }
0x178: {  	[sflag:s3] =	ssyncadd.s32 $0xFFFFE000  }
0x179: {  	_ =	swait.ge [sflag:s3], $0x2000  }
0x17a: {  	[sflag:s3] =	ssyncset.done $0x0  }
0x17b: {  	[sflag:s3] =	ssyncadd.s32 $0xFFFFE000  }
0x17c: {  	_ =	swait.ge [sflag:s3], $0x2000  }
0x17d: {  	[sflag:s3] =	ssyncset.done $0x0  }
0x17e: {  	[sflag:s3] =	ssyncadd.s32 $0xFFFFE000  }
0x17f: {  	_ =	swait.ge [sflag:s3], $0x2000  }
0x180: {  	[sflag:s3] =	ssyncset.done $0x0  }
0x181: {  	[sflag:s3] =	ssyncadd.s32 $0xFFFFE000  }
0x182: {  	_ =	swait.ge [sflag:s3], $0x2000  }
0x183: {  	[sflag:s3] =	ssyncset.done $0x0  }
0x184: {  	[sflag:s3] =	ssyncadd.s32 $0xFFFFE000  }
0x185: {  	_ =	swait.ge [sflag:s3], $0x2000  }
0x186: {  	[sflag:s3] =	ssyncset.done $0x0  }
0x187: {  	[sflag:s3] =	ssyncadd.s32 $0xFFFFE000  }
0x188: {  	_ =	swait.ge [sflag:s3], $0x2000  }
0x189: {  	[sflag:s3] =	ssyncset.done $0x0  }
0x18a: {  	[sflag:s3] =	ssyncadd.s32 $0xFFFFE000  }
0x18b: {  	_ =	swait.ge [sflag:s3], $0x2000  }
0x18c: {  	[sflag:s3] =	ssyncset.done $0x0  }
0x18d: {  	[sflag:s3] =	ssyncadd.s32 $0xFFFFE000  }
0x18e: {  	_ =	sfence.sel $0x180000  }
0x18f: {  	[bflag:$0x0] =	sbarrier.arrive $0xFFFF  }
0x190: {  	_ =	strace $0x90000047  }
0x191: {  	s31 =	stileid.u32;
	[bflag:$0x2] =	sbarrier.arrive $0xFFFF  }
0x192: {  	p0 =	sne.s32 s31, $0x0;
	s0 =	rddreg [dreg:$0x2]  }
0x193: {  	s0 =	sadd.s32 @!p0 $0x100000, s0  }
0x194: {  	[sflag:s0] =	ssyncadd.tile.s32 @!p0 $0x1;
	_ =	shalt  }
.LBB2_6:
.Ltmp3:
0x195: {  	(pc) =	sbr.rel .LBB2_5-.Ltmp3, $2  }
0x196: {  	_ =	sdelay $0x2  }
0x197: {  	s18 =	simm.s32 $0x380  }
.Lfunc_end2:
_tile_overlayer_lowered:
.L_overlay_start_2:
0x198: {  	(tag) =	ssettag $0x2  }
0x199: {  	s0 =	rddreg [dreg:$0x0];
	s2 =	stileid.u32  }
0x19a: {  	s1 =	rddreg [dreg:$0x1];
	p0 =	sne.s32 s2, $0x0  }
0x19b: {  	s3 =	rddreg [dreg:$0x2];
	[bflag:$0x3] =	sbarrier.arrive $0xFFFF;
	s2 =	simm.s32 @!p0 $0x1C0F  }
0x19c: {  	[timem:s3], [sflag:s2] =	dma.local @!p0 [hbm:s0], s1  }
0x19d: {  	s0 =	simm.s32 @!p0 $0xF  }
0x19e: {  	_ =	swait.ge @!p0 [sflag:s0], s1  }
0x19f: {  	s1 =	ssub.s32 @!p0 $0x0, s1;
	[sflag:s0] =	ssyncset.done @!p0 $0x0  }
0x1a0: {  	[sflag:s0] =	ssyncadd.s32 @!p0 s1  }
0x1a1: {  	[bflag:$0x3] =	sbarrier.arrive $0xFFFF  }
0x1a2: {  	_ =	shalt  }

</sc_bundles>
